<compile_context>
chip_gen: v7x
topology: tpu7x:2x2x1
jax: 0.10.2.dev20260603
libtpu: 0.0.44.dev20260713+nightly
codegen_flags: <defaults>
</compile_context>

<pallas_src>
import functools
import math

import jax
import jax.numpy as jnp
from jax import lax
from jax.experimental import pallas as pl
from jax.experimental.pallas import tpu as pltpu
from jax.experimental.pallas import tpu_sc as plsc

EMBED = 64
SCALE = math.sqrt(EMBED)
CH = 200
NBUF = 2
NC = 2
NS = 16
NW = NC * NS


def _make_sc_kernel(n_chunks: int):
  assert n_chunks % NBUF == 0
  per_w = n_chunks * CH
  mesh = plsc.VectorSubcoreMesh(core_axis_name="c", subcore_axis_name="s")

  @functools.partial(
      pl.kernel,
      out_type=jax.ShapeDtypeStruct((NW * per_w, 2 * EMBED), jnp.float32),
      mesh=mesh,
      compiler_params=pltpu.CompilerParams(use_tc_tiling_on_sc=False),
      scratch_types=[
          pltpu.VMEM((per_w,), jnp.int32),
          pltpu.VMEM((NBUF, CH, EMBED), jnp.float32),
          pltpu.VMEM((NBUF, CH, EMBED), jnp.float32),
          pltpu.VMEM((NBUF, CH, 2 * EMBED), jnp.float32),
          [pltpu.SemaphoreType.DMA] * NBUF,
          [pltpu.SemaphoreType.DMA] * NBUF,
          [pltpu.SemaphoreType.DMA] * NBUF,
      ],
  )
  def k(base_hbm, tab_hbm, idx_hbm, out_hbm, idx_v, rows_a, rows_b, out_v,
        sem_a, sem_b, sem_st):
    wid = lax.axis_index("s") * NC + lax.axis_index("c")
    base = wid * per_w
    pltpu.sync_copy(idx_hbm.at[pl.ds(base, per_w)], idx_v)

    for p in range(NBUF):
      ida = idx_v.at[pl.ds(p * CH, CH)]
      pltpu.async_copy(base_hbm.at[ida], rows_a.at[p], sem_a[p])
      pltpu.async_copy(tab_hbm.at[ida], rows_b.at[p], sem_b[p])

    @pl.loop(0, n_chunks // NBUF)
    def _outer(o):
      for p in range(NBUF):
        g = o * NBUF + p
        ida = idx_v.at[pl.ds(g * CH, CH)]
        pltpu.make_async_copy(base_hbm.at[ida], rows_a.at[p], sem_a[p]).wait()
        pltpu.make_async_copy(tab_hbm.at[ida], rows_b.at[p], sem_b[p]).wait()

        @pl.when(o > 0)
        def _():
          pltpu.make_async_copy(
              out_v.at[p], out_hbm.at[pl.ds(base, CH)], sem_st[p]).wait()

        @pl.loop(0, CH, unroll=4)
        def _row(j):
          for d in range(EMBED // 16):
            sl = pl.ds(d * 16, 16)
            out_v[p, j, sl] = rows_a[p, j, sl] + SCALE * rows_b[p, j, sl]

        pltpu.async_copy(
            out_v.at[p], out_hbm.at[pl.ds(base + g * CH, CH)], sem_st[p])

        @pl.when(g + NBUF < n_chunks)
        def _():
          idn = idx_v.at[pl.ds((g + NBUF) * CH, CH)]
          pltpu.async_copy(base_hbm.at[idn], rows_a.at[p], sem_a[p])
          pltpu.async_copy(tab_hbm.at[idn], rows_b.at[p], sem_b[p])

    for p in range(NBUF):
      pltpu.make_async_copy(
          out_v.at[p], out_hbm.at[pl.ds(base, CH)], sem_st[p]).wait()

  return k


def kernel(tokens, base_table, table):
  shape = tokens.shape
  n = tokens.size
  idx = tokens.reshape(-1).astype(jnp.int32)
  n_chunks = -(-n // (NW * CH * NBUF)) * NBUF
  n_pad = n_chunks * CH * NW
  if n_pad != n:
    idx = jnp.pad(idx, (0, n_pad - n))
  out = _make_sc_kernel(n_chunks)(base_table, table, idx)
  out = out[:n].reshape(*shape, 2 * EMBED)
  return out[..., :EMBED]

# --- scband reference (transcript-rebuilt; emitter-appended) ---
"""Pipeline reference for scband-gradient-disentangled-token-embedding-31293131719311 (READ-ONLY COPY).

The authoritative reference and input builder live on the scoring server;
editing this copy changes nothing except your own understanding.
"""

import jax, jax.numpy as jnp
import numpy as np
import math

CHARSET_SIZE = 1000000
EMBED_DIM = 64


def setup_inputs(seed: int = 0) -> dict:
    key = jax.random.key(seed)
    k_tok, k_base, k_emb = jax.random.split(key, 3)
    tokens = jax.random.randint(k_tok, (4096, 200), 0, CHARSET_SIZE, dtype=jnp.int64 if jax.config.read('jax_enable_x64') else jnp.int32)
    base_table = jax.random.normal(k_base, (CHARSET_SIZE, EMBED_DIM), dtype=jnp.float32)
    table = jax.random.normal(k_emb, (CHARSET_SIZE, EMBED_DIM), dtype=jnp.float32)
    return {"tokens": tokens, "base_table": base_table, "table": table}


def reference(tokens, base_table, table):
    # base embedding lookup (gradient-detached)
    x = jnp.take(base_table, tokens, axis=0)
    x = jax.lax.stop_gradient(x)
    # disentangled embedding lookup, scaled by sqrt(embed_dim)
    e = jnp.take(table, tokens, axis=0)
    return x + math.sqrt(EMBED_DIM) * e

if __name__ == "__main__":
    import jax
    _d = setup_inputs()
    print(jax.jit(kernel)(*tuple(_d.values())))

</pallas_src>

<mosaic_0001>
#map = affine_map<(d0, d1) -> (0, 0)>
#map1 = affine_map<(d0, d1) -> (0)>
module attributes {stable_mosaic.version = 14 : i64} {
  func.func @k(%arg0: i32, %arg1: i32, %arg2: memref<1000000x64xf32, #tpu.memory_space<hbm>>, %arg3: memref<1000000x64xf32, #tpu.memory_space<hbm>>, %arg4: memref<819200xi32, #tpu.memory_space<hbm>>, %arg5: memref<819200x128xf32, #tpu.memory_space<hbm>>, %arg6: memref<25600xi32, #tpu.memory_space<vmem>>, %arg7: memref<2x200x64xf32, #tpu.memory_space<vmem>>, %arg8: memref<2x200x64xf32, #tpu.memory_space<vmem>>, %arg9: memref<2x200x128xf32, #tpu.memory_space<vmem>>, %arg10: memref<!tpu.dma_semaphore, #tpu.memory_space<semaphore_mem>>, %arg11: memref<!tpu.dma_semaphore, #tpu.memory_space<semaphore_mem>>, %arg12: memref<!tpu.dma_semaphore, #tpu.memory_space<semaphore_mem>>, %arg13: memref<!tpu.dma_semaphore, #tpu.memory_space<semaphore_mem>>, %arg14: memref<!tpu.dma_semaphore, #tpu.memory_space<semaphore_mem>>, %arg15: memref<!tpu.dma_semaphore, #tpu.memory_space<semaphore_mem>>) attributes {dimension_semantics = [#tpu.dimension_semantics<core_parallel>, #tpu.dimension_semantics<subcore_parallel>], iteration_bounds = array<i64: 2, 16>, scalar_prefetch = 0 : i64, scratch_operands = 10 : i64, tpu.core_type = #tpu.core_type<sc_vector_subcore>, window_params = [{transform_indices = #map}, {transform_indices = #map}, {transform_indices = #map1}, {transform_indices = #map}]} {
    %mul3A = arith.constant 2 : i32
    %mul3A_0 = arith.muli %arg1, %mul3A : i32
    %add3A = arith.addi %mul3A_0, %arg0 : i32
    %mul3A_1 = arith.constant 25600 : i32
    %mul3A_2 = arith.muli %add3A, %mul3A_1 : i32
    "tpu.region"() ({
      %run_scoped3A = tpu.sem_alloc : memref<!tpu.dma_semaphore, #tpu.memory_space<semaphore_mem>>
      %dma_start3A_71 = tpu.memref_slice %arg4[%mul3A_2] : memref<819200xi32, #tpu.memory_space<hbm>> -> memref<25600xi32, #tpu.memory_space<hbm>>
      %dma_start3A_72 = tpu.memref_slice %arg4[%mul3A_2] : memref<819200xi32, #tpu.memory_space<hbm>> -> memref<25600xi32, #tpu.memory_space<hbm>>
      tpu.enqueue_dma source(%dma_start3A_72 : memref<25600xi32, #tpu.memory_space<hbm>>) target(%arg6 : memref<25600xi32, #tpu.memory_space<vmem>>) target_semaphore(%run_scoped3A : memref<!tpu.dma_semaphore, #tpu.memory_space<semaphore_mem>>)
      %dma_wait3A_73 = tpu.memref_slice %arg4[%mul3A_2] : memref<819200xi32, #tpu.memory_space<hbm>> -> memref<25600xi32, #tpu.memory_space<hbm>>
      %dma_wait3A_74 = tpu.memref_slice %arg4[%mul3A_2] : memref<819200xi32, #tpu.memory_space<hbm>> -> memref<25600xi32, #tpu.memory_space<hbm>>
      tpu.wait_dma2 semaphore(%run_scoped3A : memref<!tpu.dma_semaphore, #tpu.memory_space<semaphore_mem>>) src(%dma_wait3A_74 : memref<25600xi32, #tpu.memory_space<hbm>>) dst(%arg6 : memref<25600xi32, #tpu.memory_space<vmem>>)
      tpu.yield
    }) : () -> ()
    %dma_start3A = arith.constant 0 : i32
    %dma_start3A_3 = arith.constant 0 : i32
    %dma_start3A_4 = arith.constant 0 : i32
    %dma_start3A_5 = tpu.memref_slice %arg7[%dma_start3A, %dma_start3A_3, %dma_start3A_4] : memref<2x200x64xf32, #tpu.memory_space<vmem>> -> memref<1x200x64xf32, #tpu.memory_space<vmem>>
    %dma_start3A_6 = tpu.memref_squeeze %dma_start3A_5 : memref<1x200x64xf32, #tpu.memory_space<vmem>> -> memref<200x64xf32, #tpu.memory_space<vmem>>
    %dma_start3A_7 = arith.constant 0 : i32
    %dma_start3A_8 = tpu.memref_slice %arg6[%dma_start3A_7] : memref<25600xi32, #tpu.memory_space<vmem>> -> memref<200xi32, #tpu.memory_space<vmem>>
    %dma_start3A_9 = arith.constant 0 : i32
    %dma_start3A_10 = arith.constant 0 : i32
    %dma_start3A_11 = tpu.memref_slice %arg2[%dma_start3A_9, %dma_start3A_10] : memref<1000000x64xf32, #tpu.memory_space<hbm>> -> memref<1000000x64xf32, #tpu.memory_space<hbm>>
    tpu.enqueue_indirect_dma source(%dma_start3A_11 : memref<1000000x64xf32, #tpu.memory_space<hbm>>) target(%dma_start3A_6 : memref<200x64xf32, #tpu.memory_space<vmem>>) offsets(%dma_start3A_8 : memref<200xi32, #tpu.memory_space<vmem>>) semaphore(%arg10 : memref<!tpu.dma_semaphore, #tpu.memory_space<semaphore_mem>>)
    %dma_start3A_12 = arith.constant 0 : i32
    %dma_start3A_13 = arith.constant 0 : i32
    %dma_start3A_14 = arith.constant 0 : i32
    %dma_start3A_15 = tpu.memref_slice %arg8[%dma_start3A_12, %dma_start3A_13, %dma_start3A_14] : memref<2x200x64xf32, #tpu.memory_space<vmem>> -> memref<1x200x64xf32, #tpu.memory_space<vmem>>
    %dma_start3A_16 = tpu.memref_squeeze %dma_start3A_15 : memref<1x200x64xf32, #tpu.memory_space<vmem>> -> memref<200x64xf32, #tpu.memory_space<vmem>>
    %dma_start3A_17 = arith.constant 0 : i32
    %dma_start3A_18 = tpu.memref_slice %arg6[%dma_start3A_17] : memref<25600xi32, #tpu.memory_space<vmem>> -> memref<200xi32, #tpu.memory_space<vmem>>
    %dma_start3A_19 = arith.constant 0 : i32
    %dma_start3A_20 = arith.constant 0 : i32
    %dma_start3A_21 = tpu.memref_slice %arg3[%dma_start3A_19, %dma_start3A_20] : memref<1000000x64xf32, #tpu.memory_space<hbm>> -> memref<1000000x64xf32, #tpu.memory_space<hbm>>
    tpu.enqueue_indirect_dma source(%dma_start3A_21 : memref<1000000x64xf32, #tpu.memory_space<hbm>>) target(%dma_start3A_16 : memref<200x64xf32, #tpu.memory_space<vmem>>) offsets(%dma_start3A_18 : memref<200xi32, #tpu.memory_space<vmem>>) semaphore(%arg12 : memref<!tpu.dma_semaphore, #tpu.memory_space<semaphore_mem>>)
    %dma_start3A_22 = arith.constant 1 : i32
    %dma_start3A_23 = arith.constant 0 : i32
    %dma_start3A_24 = arith.constant 0 : i32
    %dma_start3A_25 = tpu.memref_slice %arg7[%dma_start3A_22, %dma_start3A_23, %dma_start3A_24] : memref<2x200x64xf32, #tpu.memory_space<vmem>> -> memref<1x200x64xf32, #tpu.memory_space<vmem>>
    %dma_start3A_26 = tpu.memref_squeeze %dma_start3A_25 : memref<1x200x64xf32, #tpu.memory_space<vmem>> -> memref<200x64xf32, #tpu.memory_space<vmem>>
    %dma_start3A_27 = arith.constant 200 : i32
    %dma_start3A_28 = tpu.memref_slice %arg6[%dma_start3A_27] : memref<25600xi32, #tpu.memory_space<vmem>> -> memref<200xi32, #tpu.memory_space<vmem>>
    %dma_start3A_29 = arith.constant 0 : i32
    %dma_start3A_30 = arith.constant 0 : i32
    %dma_start3A_31 = tpu.memref_slice %arg2[%dma_start3A_29, %dma_start3A_30] : memref<1000000x64xf32, #tpu.memory_space<hbm>> -> memref<1000000x64xf32, #tpu.memory_space<hbm>>
    tpu.enqueue_indirect_dma source(%dma_start3A_31 : memref<1000000x64xf32, #tpu.memory_space<hbm>>) target(%dma_start3A_26 : memref<200x64xf32, #tpu.memory_space<vmem>>) offsets(%dma_start3A_28 : memref<200xi32, #tpu.memory_space<vmem>>) semaphore(%arg11 : memref<!tpu.dma_semaphore, #tpu.memory_space<semaphore_mem>>)
    %dma_start3A_32 = arith.constant 1 : i32
    %dma_start3A_33 = arith.constant 0 : i32
    %dma_start3A_34 = arith.constant 0 : i32
    %dma_start3A_35 = tpu.memref_slice %arg8[%dma_start3A_32, %dma_start3A_33, %dma_start3A_34] : memref<2x200x64xf32, #tpu.memory_space<vmem>> -> memref<1x200x64xf32, #tpu.memory_space<vmem>>
    %dma_start3A_36 = tpu.memref_squeeze %dma_start3A_35 : memref<1x200x64xf32, #tpu.memory_space<vmem>> -> memref<200x64xf32, #tpu.memory_space<vmem>>
    %dma_start3A_37 = arith.constant 200 : i32
    %dma_start3A_38 = tpu.memref_slice %arg6[%dma_start3A_37] : memref<25600xi32, #tpu.memory_space<vmem>> -> memref<200xi32, #tpu.memory_space<vmem>>
    %dma_start3A_39 = arith.constant 0 : i32
    %dma_start3A_40 = arith.constant 0 : i32
    %dma_start3A_41 = tpu.memref_slice %arg3[%dma_start3A_39, %dma_start3A_40] : memref<1000000x64xf32, #tpu.memory_space<hbm>> -> memref<1000000x64xf32, #tpu.memory_space<hbm>>
    tpu.enqueue_indirect_dma source(%dma_start3A_41 : memref<1000000x64xf32, #tpu.memory_space<hbm>>) target(%dma_start3A_36 : memref<200x64xf32, #tpu.memory_space<vmem>>) offsets(%dma_start3A_38 : memref<200xi32, #tpu.memory_space<vmem>>) semaphore(%arg13 : memref<!tpu.dma_semaphore, #tpu.memory_space<semaphore_mem>>)
    %scan3A = arith.constant 0 : i32
    %scan3A_42 = arith.constant 64 : i32
    %scan3A_43 = arith.addi %scan3A, %scan3A_42 : i32
    %scan3A_44 = arith.constant 1 : i32
    scf.for %scan3A_71 = %scan3A to %scan3A_43 step %scan3A_44  : i32 {
      %mul3A_72 = arith.constant 1 : i32
      %mul3A_73 = arith.muli %scan3A_71, %mul3A_72 : i32
      %add3A_74 = arith.constant 0 : i32
      %add3A_75 = arith.addi %add3A_74, %mul3A_73 : i32
      %mul3A_76 = arith.constant 2 : i32
      %mul3A_77 = arith.muli %add3A_75, %mul3A_76 : i32
      %add3A_78 = arith.constant 0 : i32
      %add3A_79 = arith.addi %mul3A_77, %add3A_78 : i32
      %mul3A_80 = arith.constant 200 : i32
      %mul3A_81 = arith.muli %add3A_79, %mul3A_80 : i32
      %dma_wait3A_82 = arith.constant 0 : i32
      %dma_wait3A_83 = arith.constant 0 : i32
      %dma_wait3A_84 = arith.constant 0 : i32
      %dma_wait3A_85 = tpu.memref_slice %arg7[%dma_wait3A_82, %dma_wait3A_83, %dma_wait3A_84] : memref<2x200x64xf32, #tpu.memory_space<vmem>> -> memref<1x200x64xf32, #tpu.memory_space<vmem>>
      %dma_wait3A_86 = tpu.memref_squeeze %dma_wait3A_85 : memref<1x200x64xf32, #tpu.memory_space<vmem>> -> memref<200x64xf32, #tpu.memory_space<vmem>>
      %dma_wait3A_87 = tpu.memref_slice %arg6[%mul3A_81] : memref<25600xi32, #tpu.memory_space<vmem>> -> memref<200xi32, #tpu.memory_space<vmem>>
      %dma_wait3A_88 = arith.constant 0 : i32
      %dma_wait3A_89 = arith.constant 0 : i32
      %dma_wait3A_90 = tpu.memref_slice %arg2[%dma_wait3A_88, %dma_wait3A_89] : memref<1000000x64xf32, #tpu.memory_space<hbm>> -> memref<1000000x64xf32, #tpu.memory_space<hbm>>
      tpu.wait_indirect_dma semaphore(%arg10 : memref<!tpu.dma_semaphore, #tpu.memory_space<semaphore_mem>>) src(%dma_wait3A_90 : memref<1000000x64xf32, #tpu.memory_space<hbm>>) dst(%dma_wait3A_86 : memref<200x64xf32, #tpu.memory_space<vmem>>)
      %dma_wait3A_91 = arith.constant 0 : i32
      %dma_wait3A_92 = arith.constant 0 : i32
      %dma_wait3A_93 = arith.constant 0 : i32
      %dma_wait3A_94 = tpu.memref_slice %arg8[%dma_wait3A_91, %dma_wait3A_92, %dma_wait3A_93] : memref<2x200x64xf32, #tpu.memory_space<vmem>> -> memref<1x200x64xf32, #tpu.memory_space<vmem>>
      %dma_wait3A_95 = tpu.memref_squeeze %dma_wait3A_94 : memref<1x200x64xf32, #tpu.memory_space<vmem>> -> memref<200x64xf32, #tpu.memory_space<vmem>>
      %dma_wait3A_96 = tpu.memref_slice %arg6[%mul3A_81] : memref<25600xi32, #tpu.memory_space<vmem>> -> memref<200xi32, #tpu.memory_space<vmem>>
      %dma_wait3A_97 = arith.constant 0 : i32
      %dma_wait3A_98 = arith.constant 0 : i32
      %dma_wait3A_99 = tpu.memref_slice %arg3[%dma_wait3A_97, %dma_wait3A_98] : memref<1000000x64xf32, #tpu.memory_space<hbm>> -> memref<1000000x64xf32, #tpu.memory_space<hbm>>
      tpu.wait_indirect_dma semaphore(%arg12 : memref<!tpu.dma_semaphore, #tpu.memory_space<semaphore_mem>>) src(%dma_wait3A_99 : memref<1000000x64xf32, #tpu.memory_space<hbm>>) dst(%dma_wait3A_95 : memref<200x64xf32, #tpu.memory_space<vmem>>)
      %gt3A = arith.constant 0 : i32
      %gt3A_100 = arith.cmpi sgt, %add3A_75, %gt3A : i32
      %convert_element_type3A = arith.extui %gt3A_100 : i1 to i32
      %cond3A = arith.constant 0 : i32
      %cond3A_101 = arith.cmpi ne, %convert_element_type3A, %cond3A : i32
      scf.if %cond3A_101 {
        %dma_wait3A_186 = arith.constant 0 : i32
        %dma_wait3A_187 = arith.constant 0 : i32
        %dma_wait3A_188 = arith.constant 0 : i32
        %dma_wait3A_189 = tpu.memref_slice %arg9[%dma_wait3A_186, %dma_wait3A_187, %dma_wait3A_188] : memref<2x200x128xf32, #tpu.memory_space<vmem>> -> memref<1x200x128xf32, #tpu.memory_space<vmem>>
        %dma_wait3A_190 = tpu.memref_squeeze %dma_wait3A_189 : memref<1x200x128xf32, #tpu.memory_space<vmem>> -> memref<200x128xf32, #tpu.memory_space<vmem>>
        %dma_wait3A_191 = arith.constant 0 : i32
        %dma_wait3A_192 = tpu.memref_slice %arg5[%mul3A_2, %dma_wait3A_191] : memref<819200x128xf32, #tpu.memory_space<hbm>> -> memref<200x128xf32, #tpu.memory_space<hbm>>
        %dma_wait3A_193 = arith.constant 0 : i32
        %dma_wait3A_194 = tpu.memref_slice %arg5[%mul3A_2, %dma_wait3A_193] : memref<819200x128xf32, #tpu.memory_space<hbm>> -> memref<200x128xf32, #tpu.memory_space<hbm>>
        %dma_wait3A_195 = arith.constant 0 : i32
        %dma_wait3A_196 = arith.constant 0 : i32
        %dma_wait3A_197 = tpu.memref_slice %arg9[%dma_wait3A_186, %dma_wait3A_195, %dma_wait3A_196] : memref<2x200x128xf32, #tpu.memory_space<vmem>> -> memref<1x200x128xf32, #tpu.memory_space<vmem>>
        %dma_wait3A_198 = tpu.memref_squeeze %dma_wait3A_197 : memref<1x200x128xf32, #tpu.memory_space<vmem>> -> memref<200x128xf32, #tpu.memory_space<vmem>>
        tpu.wait_dma2 semaphore(%arg14 : memref<!tpu.dma_semaphore, #tpu.memory_space<semaphore_mem>>) src(%dma_wait3A_198 : memref<200x128xf32, #tpu.memory_space<vmem>>) dst(%dma_wait3A_194 : memref<200x128xf32, #tpu.memory_space<hbm>>)
      } else {
      }
      %scan3A_102 = arith.constant 0 : i32
      %scan3A_103 = arith.constant 200 : i32
      %scan3A_104 = arith.addi %scan3A_102, %scan3A_103 : i32
      %scan3A_105 = arith.constant 4 : i32
      scf.for %scan3A_186 = %scan3A_102 to %scan3A_104 step %scan3A_105  : i32 {
        %mul3A_187 = arith.constant 1 : i32
        %mul3A_188 = arith.muli %scan3A_186, %mul3A_187 : i32
        %add3A_189 = arith.constant 0 : i32
        %add3A_190 = arith.addi %add3A_189, %mul3A_188 : i32
        %get3A = arith.constant 0 : i32
        %get3A_191 = arith.index_cast %get3A : i32 to index
        %get3A_192 = arith.index_cast %add3A_190 : i32 to index
        %get3A_193 = arith.constant 0 : index
        %get3A_194 = tpu.vector_load %arg7[%get3A_191, %get3A_192, %get3A_193] {strides = array<i32>} : memref<2x200x64xf32, #tpu.memory_space<vmem>>, vector<1x1x16xf32>,
        %get3A_195 = vector.shape_cast %get3A_194 : vector<1x1x16xf32> to vector<16xf32>
        %get3A_196 = arith.constant 0 : i32
        %get3A_197 = arith.index_cast %get3A_196 : i32 to index
        %get3A_198 = arith.index_cast %add3A_190 : i32 to index
        %get3A_199 = arith.constant 0 : index
        %get3A_200 = tpu.vector_load %arg8[%get3A_197, %get3A_198, %get3A_199] {strides = array<i32>} : memref<2x200x64xf32, #tpu.memory_space<vmem>>, vector<1x1x16xf32>,
        %get3A_201 = vector.shape_cast %get3A_200 : vector<1x1x16xf32> to vector<16xf32>
        %mul3A_202 = arith.constant 8.000000e+00 : f32
        %mul3A_203 = vector.broadcast %mul3A_202 : f32 to vector<16xf32>
        %mul3A_204 = arith.mulf %mul3A_203, %get3A_201 : vector<16xf32>
        %add3A_205 = arith.addf %get3A_195, %mul3A_204 : vector<16xf32>
        %swap3A = arith.constant 0 : i32
        %swap3A_206 = arith.index_cast %swap3A : i32 to index
        %swap3A_207 = arith.index_cast %add3A_190 : i32 to index
        %swap3A_208 = arith.constant 0 : index
        %swap3A_209 = tpu.vector_load %arg9[%swap3A_206, %swap3A_207, %swap3A_208] {strides = array<i32>} : memref<2x200x128xf32, #tpu.memory_space<vmem>>, vector<1x1x16xf32>,
        %swap3A_210 = vector.shape_cast %swap3A_209 : vector<1x1x16xf32> to vector<16xf32>
        %swap3A_211 = vector.shape_cast %add3A_205 : vector<16xf32> to vector<1x1x16xf32>
        tpu.vector_store %arg9[%swap3A_206, %swap3A_207, %swap3A_208], %swap3A_211 {strides = array<i32>} : memref<2x200x128xf32, #tpu.memory_space<vmem>>, vector<1x1x16xf32>,
        %get3A_212 = arith.constant 0 : i32
        %get3A_213 = arith.index_cast %get3A_212 : i32 to index
        %get3A_214 = arith.index_cast %add3A_190 : i32 to index
        %get3A_215 = arith.constant 16 : index
        %get3A_216 = tpu.vector_load %arg7[%get3A_213, %get3A_214, %get3A_215] {strides = array<i32>} : memref<2x200x64xf32, #tpu.memory_space<vmem>>, vector<1x1x16xf32>,
        %get3A_217 = vector.shape_cast %get3A_216 : vector<1x1x16xf32> to vector<16xf32>
        %get3A_218 = arith.constant 0 : i32
        %get3A_219 = arith.index_cast %get3A_218 : i32 to index
        %get3A_220 = arith.index_cast %add3A_190 : i32 to index
        %get3A_221 = arith.constant 16 : index
        %get3A_222 = tpu.vector_load %arg8[%get3A_219, %get3A_220, %get3A_221] {strides = array<i32>} : memref<2x200x64xf32, #tpu.memory_space<vmem>>, vector<1x1x16xf32>,
        %get3A_223 = vector.shape_cast %get3A_222 : vector<1x1x16xf32> to vector<16xf32>
        %mul3A_224 = arith.constant 8.000000e+00 : f32
        %mul3A_225 = vector.broadcast %mul3A_224 : f32 to vector<16xf32>
        %mul3A_226 = arith.mulf %mul3A_225, %get3A_223 : vector<16xf32>
        %add3A_227 = arith.addf %get3A_217, %mul3A_226 : vector<16xf32>
        %swap3A_228 = arith.constant 0 : i32
        %swap3A_229 = arith.index_cast %swap3A_228 : i32 to index
        %swap3A_230 = arith.index_cast %add3A_190 : i32 to index
        %swap3A_231 = arith.constant 16 : index
        %swap3A_232 = tpu.vector_load %arg9[%swap3A_229, %swap3A_230, %swap3A_231] {strides = array<i32>} : memref<2x200x128xf32, #tpu.memory_space<vmem>>, vector<1x1x16xf32>,
        %swap3A_233 = vector.shape_cast %swap3A_232 : vector<1x1x16xf32> to vector<16xf32>
        %swap3A_234 = vector.shape_cast %add3A_227 : vector<16xf32> to vector<1x1x16xf32>
        tpu.vector_store %arg9[%swap3A_229, %swap3A_230, %swap3A_231], %swap3A_234 {strides = array<i32>} : memref<2x200x128xf32, #tpu.memory_space<vmem>>, vector<1x1x16xf32>,
        %get3A_235 = arith.constant 0 : i32
        %get3A_236 = arith.index_cast %get3A_235 : i32 to index
        %get3A_237 = arith.index_cast %add3A_190 : i32 to index
        %get3A_238 = arith.constant 32 : index
        %get3A_239 = tpu.vector_load %arg7[%get3A_236, %get3A_237, %get3A_238] {strides = array<i32>} : memref<2x200x64xf32, #tpu.memory_space<vmem>>, vector<1x1x16xf32>,
        %get3A_240 = vector.shape_cast %get3A_239 : vector<1x1x16xf32> to vector<16xf32>
        %get3A_241 = arith.constant 0 : i32
        %get3A_242 = arith.index_cast %get3A_241 : i32 to index
        %get3A_243 = arith.index_cast %add3A_190 : i32 to index
        %get3A_244 = arith.constant 32 : index
        %get3A_245 = tpu.vector_load %arg8[%get3A_242, %get3A_243, %get3A_244] {strides = array<i32>} : memref<2x200x64xf32, #tpu.memory_space<vmem>>, vector<1x1x16xf32>,
        %get3A_246 = vector.shape_cast %get3A_245 : vector<1x1x16xf32> to vector<16xf32>
        %mul3A_247 = arith.constant 8.000000e+00 : f32
        %mul3A_248 = vector.broadcast %mul3A_247 : f32 to vector<16xf32>
        %mul3A_249 = arith.mulf %mul3A_248, %get3A_246 : vector<16xf32>
        %add3A_250 = arith.addf %get3A_240, %mul3A_249 : vector<16xf32>
        %swap3A_251 = arith.constant 0 : i32
        %swap3A_252 = arith.index_cast %swap3A_251 : i32 to index
        %swap3A_253 = arith.index_cast %add3A_190 : i32 to index
        %swap3A_254 = arith.constant 32 : index
        %swap3A_255 = tpu.vector_load %arg9[%swap3A_252, %swap3A_253, %swap3A_254] {strides = array<i32>} : memref<2x200x128xf32, #tpu.memory_space<vmem>>, vector<1x1x16xf32>,
        %swap3A_256 = vector.shape_cast %swap3A_255 : vector<1x1x16xf32> to vector<16xf32>
        %swap3A_257 = vector.shape_cast %add3A_250 : vector<16xf32> to vector<1x1x16xf32>
        tpu.vector_store %arg9[%swap3A_252, %swap3A_253, %swap3A_254], %swap3A_257 {strides = array<i32>} : memref<2x200x128xf32, #tpu.memory_space<vmem>>, vector<1x1x16xf32>,
        %get3A_258 = arith.constant 0 : i32
        %get3A_259 = arith.index_cast %get3A_258 : i32 to index
        %get3A_260 = arith.index_cast %add3A_190 : i32 to index
        %get3A_261 = arith.constant 48 : index
        %get3A_262 = tpu.vector_load %arg7[%get3A_259, %get3A_260, %get3A_261] {strides = array<i32>} : memref<2x200x64xf32, #tpu.memory_space<vmem>>, vector<1x1x16xf32>,
        %get3A_263 = vector.shape_cast %get3A_262 : vector<1x1x16xf32> to vector<16xf32>
        %get3A_264 = arith.constant 0 : i32
        %get3A_265 = arith.index_cast %get3A_264 : i32 to index
        %get3A_266 = arith.index_cast %add3A_190 : i32 to index
        %get3A_267 = arith.constant 48 : index
        %get3A_268 = tpu.vector_load %arg8[%get3A_265, %get3A_266, %get3A_267] {strides = array<i32>} : memref<2x200x64xf32, #tpu.memory_space<vmem>>, vector<1x1x16xf32>,
        %get3A_269 = vector.shape_cast %get3A_268 : vector<1x1x16xf32> to vector<16xf32>
        %mul3A_270 = arith.constant 8.000000e+00 : f32
        %mul3A_271 = vector.broadcast %mul3A_270 : f32 to vector<16xf32>
        %mul3A_272 = arith.mulf %mul3A_271, %get3A_269 : vector<16xf32>
        %add3A_273 = arith.addf %get3A_263, %mul3A_272 : vector<16xf32>
        %swap3A_274 = arith.constant 0 : i32
        %swap3A_275 = arith.index_cast %swap3A_274 : i32 to index
        %swap3A_276 = arith.index_cast %add3A_190 : i32 to index
        %swap3A_277 = arith.constant 48 : index
        %swap3A_278 = tpu.vector_load %arg9[%swap3A_275, %swap3A_276, %swap3A_277] {strides = array<i32>} : memref<2x200x128xf32, #tpu.memory_space<vmem>>, vector<1x1x16xf32>,
        %swap3A_279 = vector.shape_cast %swap3A_278 : vector<1x1x16xf32> to vector<16xf32>
        %swap3A_280 = vector.shape_cast %add3A_273 : vector<16xf32> to vector<1x1x16xf32>
        tpu.vector_store %arg9[%swap3A_275, %swap3A_276, %swap3A_277], %swap3A_280 {strides = array<i32>} : memref<2x200x128xf32, #tpu.memory_space<vmem>>, vector<1x1x16xf32>,
        %scan3A_281 = arith.constant 1 : i32
        %scan3A_282 = arith.addi %scan3A_186, %scan3A_281 : i32
        %mul3A_283 = arith.constant 1 : i32
        %mul3A_284 = arith.muli %scan3A_282, %mul3A_283 : i32
        %add3A_285 = arith.constant 0 : i32
        %add3A_286 = arith.addi %add3A_285, %mul3A_284 : i32
        %get3A_287 = arith.constant 0 : i32
        %get3A_288 = arith.index_cast %get3A_287 : i32 to index
        %get3A_289 = arith.index_cast %add3A_286 : i32 to index
        %get3A_290 = arith.constant 0 : index
        %get3A_291 = tpu.vector_load %arg7[%get3A_288, %get3A_289, %get3A_290] {strides = array<i32>} : memref<2x200x64xf32, #tpu.memory_space<vmem>>, vector<1x1x16xf32>,
        %get3A_292 = vector.shape_cast %get3A_291 : vector<1x1x16xf32> to vector<16xf32>
        %get3A_293 = arith.constant 0 : i32
        %get3A_294 = arith.index_cast %get3A_293 : i32 to index
        %get3A_295 = arith.index_cast %add3A_286 : i32 to index
        %get3A_296 = arith.constant 0 : index
        %get3A_297 = tpu.vector_load %arg8[%get3A_294, %get3A_295, %get3A_296] {strides = array<i32>} : memref<2x200x64xf32, #tpu.memory_space<vmem>>, vector<1x1x16xf32>,
        %get3A_298 = vector.shape_cast %get3A_297 : vector<1x1x16xf32> to vector<16xf32>
        %mul3A_299 = arith.constant 8.000000e+00 : f32
        %mul3A_300 = vector.broadcast %mul3A_299 : f32 to vector<16xf32>
        %mul3A_301 = arith.mulf %mul3A_300, %get3A_298 : vector<16xf32>
        %add3A_302 = arith.addf %get3A_292, %mul3A_301 : vector<16xf32>
        %swap3A_303 = arith.constant 0 : i32
        %swap3A_304 = arith.index_cast %swap3A_303 : i32 to index
        %swap3A_305 = arith.index_cast %add3A_286 : i32 to index
        %swap3A_306 = arith.constant 0 : index
        %swap3A_307 = tpu.vector_load %arg9[%swap3A_304, %swap3A_305, %swap3A_306] {strides = array<i32>} : memref<2x200x128xf32, #tpu.memory_space<vmem>>, vector<1x1x16xf32>,
        %swap3A_308 = vector.shape_cast %swap3A_307 : vector<1x1x16xf32> to vector<16xf32>
        %swap3A_309 = vector.shape_cast %add3A_302 : vector<16xf32> to vector<1x1x16xf32>
        tpu.vector_store %arg9[%swap3A_304, %swap3A_305, %swap3A_306], %swap3A_309 {strides = array<i32>} : memref<2x200x128xf32, #tpu.memory_space<vmem>>, vector<1x1x16xf32>,
        %get3A_310 = arith.constant 0 : i32
        %get3A_311 = arith.index_cast %get3A_310 : i32 to index
        %get3A_312 = arith.index_cast %add3A_286 : i32 to index
        %get3A_313 = arith.constant 16 : index
        %get3A_314 = tpu.vector_load %arg7[%get3A_311, %get3A_312, %get3A_313] {strides = array<i32>} : memref<2x200x64xf32, #tpu.memory_space<vmem>>, vector<1x1x16xf32>,
        %get3A_315 = vector.shape_cast %get3A_314 : vector<1x1x16xf32> to vector<16xf32>
        %get3A_316 = arith.constant 0 : i32
        %get3A_317 = arith.index_cast %get3A_316 : i32 to index
        %get3A_318 = arith.index_cast %add3A_286 : i32 to index
        %get3A_319 = arith.constant 16 : index
        %get3A_320 = tpu.vector_load %arg8[%get3A_317, %get3A_318, %get3A_319] {strides = array<i32>} : memref<2x200x64xf32, #tpu.memory_space<vmem>>, vector<1x1x16xf32>,
        %get3A_321 = vector.shape_cast %get3A_320 : vector<1x1x16xf32> to vector<16xf32>
        %mul3A_322 = arith.constant 8.000000e+00 : f32
        %mul3A_323 = vector.broadcast %mul3A_322 : f32 to vector<16xf32>
        %mul3A_324 = arith.mulf %mul3A_323, %get3A_321 : vector<16xf32>
        %add3A_325 = arith.addf %get3A_315, %mul3A_324 : vector<16xf32>
        %swap3A_326 = arith.constant 0 : i32
        %swap3A_327 = arith.index_cast %swap3A_326 : i32 to index
        %swap3A_328 = arith.index_cast %add3A_286 : i32 to index
        %swap3A_329 = arith.constant 16 : index
        %swap3A_330 = tpu.vector_load %arg9[%swap3A_327, %swap3A_328, %swap3A_329] {strides = array<i32>} : memref<2x200x128xf32, #tpu.memory_space<vmem>>, vector<1x1x16xf32>,
        %swap3A_331 = vector.shape_cast %swap3A_330 : vector<1x1x16xf32> to vector<16xf32>
        %swap3A_332 = vector.shape_cast %add3A_325 : vector<16xf32> to vector<1x1x16xf32>
        tpu.vector_store %arg9[%swap3A_327, %swap3A_328, %swap3A_329], %swap3A_332 {strides = array<i32>} : memref<2x200x128xf32, #tpu.memory_space<vmem>>, vector<1x1x16xf32>,
        %get3A_333 = arith.constant 0 : i32
        %get3A_334 = arith.index_cast %get3A_333 : i32 to index
        %get3A_335 = arith.index_cast %add3A_286 : i32 to index
        %get3A_336 = arith.constant 32 : index
        %get3A_337 = tpu.vector_load %arg7[%get3A_334, %get3A_335, %get3A_336] {strides = array<i32>} : memref<2x200x64xf32, #tpu.memory_space<vmem>>, vector<1x1x16xf32>,
        %get3A_338 = vector.shape_cast %get3A_337 : vector<1x1x16xf32> to vector<16xf32>
        %get3A_339 = arith.constant 0 : i32
        %get3A_340 = arith.index_cast %get3A_339 : i32 to index
        %get3A_341 = arith.index_cast %add3A_286 : i32 to index
        %get3A_342 = arith.constant 32 : index
        %get3A_343 = tpu.vector_load %arg8[%get3A_340, %get3A_341, %get3A_342] {strides = array<i32>} : memref<2x200x64xf32, #tpu.memory_space<vmem>>, vector<1x1x16xf32>,
        %get3A_344 = vector.shape_cast %get3A_343 : vector<1x1x16xf32> to vector<16xf32>
        %mul3A_345 = arith.constant 8.000000e+00 : f32
        %mul3A_346 = vector.broadcast %mul3A_345 : f32 to vector<16xf32>
        %mul3A_347 = arith.mulf %mul3A_346, %get3A_344 : vector<16xf32>
        %add3A_348 = arith.addf %get3A_338, %mul3A_347 : vector<16xf32>
        %swap3A_349 = arith.constant 0 : i32
        %swap3A_350 = arith.index_cast %swap3A_349 : i32 to index
        %swap3A_351 = arith.index_cast %add3A_286 : i32 to index
        %swap3A_352 = arith.constant 32 : index
        %swap3A_353 = tpu.vector_load %arg9[%swap3A_350, %swap3A_351, %swap3A_352] {strides = array<i32>} : memref<2x200x128xf32, #tpu.memory_space<vmem>>, vector<1x1x16xf32>,
        %swap3A_354 = vector.shape_cast %swap3A_353 : vector<1x1x16xf32> to vector<16xf32>
        %swap3A_355 = vector.shape_cast %add3A_348 : vector<16xf32> to vector<1x1x16xf32>
        tpu.vector_store %arg9[%swap3A_350, %swap3A_351, %swap3A_352], %swap3A_355 {strides = array<i32>} : memref<2x200x128xf32, #tpu.memory_space<vmem>>, vector<1x1x16xf32>,
        %get3A_356 = arith.constant 0 : i32
        %get3A_357 = arith.index_cast %get3A_356 : i32 to index
        %get3A_358 = arith.index_cast %add3A_286 : i32 to index
        %get3A_359 = arith.constant 48 : index
        %get3A_360 = tpu.vector_load %arg7[%get3A_357, %get3A_358, %get3A_359] {strides = array<i32>} : memref<2x200x64xf32, #tpu.memory_space<vmem>>, vector<1x1x16xf32>,
        %get3A_361 = vector.shape_cast %get3A_360 : vector<1x1x16xf32> to vector<16xf32>
        %get3A_362 = arith.constant 0 : i32
        %get3A_363 = arith.index_cast %get3A_362 : i32 to index
        %get3A_364 = arith.index_cast %add3A_286 : i32 to index
        %get3A_365 = arith.constant 48 : index
        %get3A_366 = tpu.vector_load %arg8[%get3A_363, %get3A_364, %get3A_365] {strides = array<i32>} : memref<2x200x64xf32, #tpu.memory_space<vmem>>, vector<1x1x16xf32>,
        %get3A_367 = vector.shape_cast %get3A_366 : vector<1x1x16xf32> to vector<16xf32>
        %mul3A_368 = arith.constant 8.000000e+00 : f32
        %mul3A_369 = vector.broadcast %mul3A_368 : f32 to vector<16xf32>
        %mul3A_370 = arith.mulf %mul3A_369, %get3A_367 : vector<16xf32>
        %add3A_371 = arith.addf %get3A_361, %mul3A_370 : vector<16xf32>
        %swap3A_372 = arith.constant 0 : i32
        %swap3A_373 = arith.index_cast %swap3A_372 : i32 to index
        %swap3A_374 = arith.index_cast %add3A_286 : i32 to index
        %swap3A_375 = arith.constant 48 : index
        %swap3A_376 = tpu.vector_load %arg9[%swap3A_373, %swap3A_374, %swap3A_375] {strides = array<i32>} : memref<2x200x128xf32, #tpu.memory_space<vmem>>, vector<1x1x16xf32>,
        %swap3A_377 = vector.shape_cast %swap3A_376 : vector<1x1x16xf32> to vector<16xf32>
        %swap3A_378 = vector.shape_cast %add3A_371 : vector<16xf32> to vector<1x1x16xf32>
        tpu.vector_store %arg9[%swap3A_373, %swap3A_374, %swap3A_375], %swap3A_378 {strides = array<i32>} : memref<2x200x128xf32, #tpu.memory_space<vmem>>, vector<1x1x16xf32>,
        %scan3A_379 = arith.constant 2 : i32
        %scan3A_380 = arith.addi %scan3A_186, %scan3A_379 : i32
        %mul3A_381 = arith.constant 1 : i32
        %mul3A_382 = arith.muli %scan3A_380, %mul3A_381 : i32
        %add3A_383 = arith.constant 0 : i32
        %add3A_384 = arith.addi %add3A_383, %mul3A_382 : i32
        %get3A_385 = arith.constant 0 : i32
        %get3A_386 = arith.index_cast %get3A_385 : i32 to index
        %get3A_387 = arith.index_cast %add3A_384 : i32 to index
        %get3A_388 = arith.constant 0 : index
        %get3A_389 = tpu.vector_load %arg7[%get3A_386, %get3A_387, %get3A_388] {strides = array<i32>} : memref<2x200x64xf32, #tpu.memory_space<vmem>>, vector<1x1x16xf32>,
        %get3A_390 = vector.shape_cast %get3A_389 : vector<1x1x16xf32> to vector<16xf32>
        %get3A_391 = arith.constant 0 : i32
        %get3A_392 = arith.index_cast %get3A_391 : i32 to index
        %get3A_393 = arith.index_cast %add3A_384 : i32 to index
        %get3A_394 = arith.constant 0 : index
        %get3A_395 = tpu.vector_load %arg8[%get3A_392, %get3A_393, %get3A_394] {strides = array<i32>} : memref<2x200x64xf32, #tpu.memory_space<vmem>>, vector<1x1x16xf32>,
        %get3A_396 = vector.shape_cast %get3A_395 : vector<1x1x16xf32> to vector<16xf32>
        %mul3A_397 = arith.constant 8.000000e+00 : f32
        %mul3A_398 = vector.broadcast %mul3A_397 : f32 to vector<16xf32>
        %mul3A_399 = arith.mulf %mul3A_398, %get3A_396 : vector<16xf32>
        %add3A_400 = arith.addf %get3A_390, %mul3A_399 : vector<16xf32>
        %swap3A_401 = arith.constant 0 : i32
        %swap3A_402 = arith.index_cast %swap3A_401 : i32 to index
        %swap3A_403 = arith.index_cast %add3A_384 : i32 to index
        %swap3A_404 = arith.constant 0 : index
        %swap3A_405 = tpu.vector_load %arg9[%swap3A_402, %swap3A_403, %swap3A_404] {strides = array<i32>} : memref<2x200x128xf32, #tpu.memory_space<vmem>>, vector<1x1x16xf32>,
        %swap3A_406 = vector.shape_cast %swap3A_405 : vector<1x1x16xf32> to vector<16xf32>
        %swap3A_407 = vector.shape_cast %add3A_400 : vector<16xf32> to vector<1x1x16xf32>
        tpu.vector_store %arg9[%swap3A_402, %swap3A_403, %swap3A_404], %swap3A_407 {strides = array<i32>} : memref<2x200x128xf32, #tpu.memory_space<vmem>>, vector<1x1x16xf32>,
        %get3A_408 = arith.constant 0 : i32
        %get3A_409 = arith.index_cast %get3A_408 : i32 to index
        %get3A_410 = arith.index_cast %add3A_384 : i32 to index
        %get3A_411 = arith.constant 16 : index
        %get3A_412 = tpu.vector_load %arg7[%get3A_409, %get3A_410, %get3A_411] {strides = array<i32>} : memref<2x200x64xf32, #tpu.memory_space<vmem>>, vector<1x1x16xf32>,
        %get3A_413 = vector.shape_cast %get3A_412 : vector<1x1x16xf32> to vector<16xf32>
        %get3A_414 = arith.constant 0 : i32
        %get3A_415 = arith.index_cast %get3A_414 : i32 to index
        %get3A_416 = arith.index_cast %add3A_384 : i32 to index
        %get3A_417 = arith.constant 16 : index
        %get3A_418 = tpu.vector_load %arg8[%get3A_415, %get3A_416, %get3A_417] {strides = array<i32>} : memref<2x200x64xf32, #tpu.memory_space<vmem>>, vector<1x1x16xf32>,
        %get3A_419 = vector.shape_cast %get3A_418 : vector<1x1x16xf32> to vector<16xf32>
        %mul3A_420 = arith.constant 8.000000e+00 : f32
        %mul3A_421 = vector.broadcast %mul3A_420 : f32 to vector<16xf32>
        %mul3A_422 = arith.mulf %mul3A_421, %get3A_419 : vector<16xf32>
        %add3A_423 = arith.addf %get3A_413, %mul3A_422 : vector<16xf32>
        %swap3A_424 = arith.constant 0 : i32
        %swap3A_425 = arith.index_cast %swap3A_424 : i32 to index
        %swap3A_426 = arith.index_cast %add3A_384 : i32 to index
        %swap3A_427 = arith.constant 16 : index
        %swap3A_428 = tpu.vector_load %arg9[%swap3A_425, %swap3A_426, %swap3A_427] {strides = array<i32>} : memref<2x200x128xf32, #tpu.memory_space<vmem>>, vector<1x1x16xf32>,
        %swap3A_429 = vector.shape_cast %swap3A_428 : vector<1x1x16xf32> to vector<16xf32>
        %swap3A_430 = vector.shape_cast %add3A_423 : vector<16xf32> to vector<1x1x16xf32>
        tpu.vector_store %arg9[%swap3A_425, %swap3A_426, %swap3A_427], %swap3A_430 {strides = array<i32>} : memref<2x200x128xf32, #tpu.memory_space<vmem>>, vector<1x1x16xf32>,
        %get3A_431 = arith.constant 0 : i32
        %get3A_432 = arith.index_cast %get3A_431 : i32 to index
        %get3A_433 = arith.index_cast %add3A_384 : i32 to index
        %get3A_434 = arith.constant 32 : index
        %get3A_435 = tpu.vector_load %arg7[%get3A_432, %get3A_433, %get3A_434] {strides = array<i32>} : memref<2x200x64xf32, #tpu.memory_space<vmem>>, vector<1x1x16xf32>,
        %get3A_436 = vector.shape_cast %get3A_435 : vector<1x1x16xf32> to vector<16xf32>
        %get3A_437 = arith.constant 0 : i32
        %get3A_438 = arith.index_cast %get3A_437 : i32 to index
        %get3A_439 = arith.index_cast %add3A_384 : i32 to index
        %get3A_440 = arith.constant 32 : index
        %get3A_441 = tpu.vector_load %arg8[%get3A_438, %get3A_439, %get3A_440] {strides = array<i32>} : memref<2x200x64xf32, #tpu.memory_space<vmem>>, vector<1x1x16xf32>,
        %get3A_442 = vector.shape_cast %get3A_441 : vector<1x1x16xf32> to vector<16xf32>
        %mul3A_443 = arith.constant 8.000000e+00 : f32
        %mul3A_444 = vector.broadcast %mul3A_443 : f32 to vector<16xf32>
        %mul3A_445 = arith.mulf %mul3A_444, %get3A_442 : vector<16xf32>
        %add3A_446 = arith.addf %get3A_436, %mul3A_445 : vector<16xf32>
        %swap3A_447 = arith.constant 0 : i32
        %swap3A_448 = arith.index_cast %swap3A_447 : i32 to index
        %swap3A_449 = arith.index_cast %add3A_384 : i32 to index
        %swap3A_450 = arith.constant 32 : index
        %swap3A_451 = tpu.vector_load %arg9[%swap3A_448, %swap3A_449, %swap3A_450] {strides = array<i32>} : memref<2x200x128xf32, #tpu.memory_space<vmem>>, vector<1x1x16xf32>,
        %swap3A_452 = vector.shape_cast %swap3A_451 : vector<1x1x16xf32> to vector<16xf32>
        %swap3A_453 = vector.shape_cast %add3A_446 : vector<16xf32> to vector<1x1x16xf32>
        tpu.vector_store %arg9[%swap3A_448, %swap3A_449, %swap3A_450], %swap3A_453 {strides = array<i32>} : memref<2x200x128xf32, #tpu.memory_space<vmem>>, vector<1x1x16xf32>,
        %get3A_454 = arith.constant 0 : i32
        %get3A_455 = arith.index_cast %get3A_454 : i32 to index
        %get3A_456 = arith.index_cast %add3A_384 : i32 to index
        %get3A_457 = arith.constant 48 : index
        %get3A_458 = tpu.vector_load %arg7[%get3A_455, %get3A_456, %get3A_457] {strides = array<i32>} : memref<2x200x64xf32, #tpu.memory_space<vmem>>, vector<1x1x16xf32>,
        %get3A_459 = vector.shape_cast %get3A_458 : vector<1x1x16xf32> to vector<16xf32>
        %get3A_460 = arith.constant 0 : i32
        %get3A_461 = arith.index_cast %get3A_460 : i32 to index
        %get3A_462 = arith.index_cast %add3A_384 : i32 to index
        %get3A_463 = arith.constant 48 : index
        %get3A_464 = tpu.vector_load %arg8[%get3A_461, %get3A_462, %get3A_463] {strides = array<i32>} : memref<2x200x64xf32, #tpu.memory_space<vmem>>, vector<1x1x16xf32>,
        %get3A_465 = vector.shape_cast %get3A_464 : vector<1x1x16xf32> to vector<16xf32>
        %mul3A_466 = arith.constant 8.000000e+00 : f32
        %mul3A_467 = vector.broadcast %mul3A_466 : f32 to vector<16xf32>
        %mul3A_468 = arith.mulf %mul3A_467, %get3A_465 : vector<16xf32>
        %add3A_469 = arith.addf %get3A_459, %mul3A_468 : vector<16xf32>
        %swap3A_470 = arith.constant 0 : i32
        %swap3A_471 = arith.index_cast %swap3A_470 : i32 to index
        %swap3A_472 = arith.index_cast %add3A_384 : i32 to index
        %swap3A_473 = arith.constant 48 : index
        %swap3A_474 = tpu.vector_load %arg9[%swap3A_471, %swap3A_472, %swap3A_473] {strides = array<i32>} : memref<2x200x128xf32, #tpu.memory_space<vmem>>, vector<1x1x16xf32>,
        %swap3A_475 = vector.shape_cast %swap3A_474 : vector<1x1x16xf32> to vector<16xf32>
        %swap3A_476 = vector.shape_cast %add3A_469 : vector<16xf32> to vector<1x1x16xf32>
        tpu.vector_store %arg9[%swap3A_471, %swap3A_472, %swap3A_473], %swap3A_476 {strides = array<i32>} : memref<2x200x128xf32, #tpu.memory_space<vmem>>, vector<1x1x16xf32>,
        %scan3A_477 = arith.constant 3 : i32
        %scan3A_478 = arith.addi %scan3A_186, %scan3A_477 : i32
        %mul3A_479 = arith.constant 1 : i32
        %mul3A_480 = arith.muli %scan3A_478, %mul3A_479 : i32
        %add3A_481 = arith.constant 0 : i32
        %add3A_482 = arith.addi %add3A_481, %mul3A_480 : i32
        %get3A_483 = arith.constant 0 : i32
        %get3A_484 = arith.index_cast %get3A_483 : i32 to index
        %get3A_485 = arith.index_cast %add3A_482 : i32 to index
        %get3A_486 = arith.constant 0 : index
        %get3A_487 = tpu.vector_load %arg7[%get3A_484, %get3A_485, %get3A_486] {strides = array<i32>} : memref<2x200x64xf32, #tpu.memory_space<vmem>>, vector<1x1x16xf32>,
        %get3A_488 = vector.shape_cast %get3A_487 : vector<1x1x16xf32> to vector<16xf32>
        %get3A_489 = arith.constant 0 : i32
        %get3A_490 = arith.index_cast %get3A_489 : i32 to index
        %get3A_491 = arith.index_cast %add3A_482 : i32 to index
        %get3A_492 = arith.constant 0 : index
        %get3A_493 = tpu.vector_load %arg8[%get3A_490, %get3A_491, %get3A_492] {strides = array<i32>} : memref<2x200x64xf32, #tpu.memory_space<vmem>>, vector<1x1x16xf32>,
        %get3A_494 = vector.shape_cast %get3A_493 : vector<1x1x16xf32> to vector<16xf32>
        %mul3A_495 = arith.constant 8.000000e+00 : f32
        %mul3A_496 = vector.broadcast %mul3A_495 : f32 to vector<16xf32>
        %mul3A_497 = arith.mulf %mul3A_496, %get3A_494 : vector<16xf32>
        %add3A_498 = arith.addf %get3A_488, %mul3A_497 : vector<16xf32>
        %swap3A_499 = arith.constant 0 : i32
        %swap3A_500 = arith.index_cast %swap3A_499 : i32 to index
        %swap3A_501 = arith.index_cast %add3A_482 : i32 to index
        %swap3A_502 = arith.constant 0 : index
        %swap3A_503 = tpu.vector_load %arg9[%swap3A_500, %swap3A_501, %swap3A_502] {strides = array<i32>} : memref<2x200x128xf32, #tpu.memory_space<vmem>>, vector<1x1x16xf32>,
        %swap3A_504 = vector.shape_cast %swap3A_503 : vector<1x1x16xf32> to vector<16xf32>
        %swap3A_505 = vector.shape_cast %add3A_498 : vector<16xf32> to vector<1x1x16xf32>
        tpu.vector_store %arg9[%swap3A_500, %swap3A_501, %swap3A_502], %swap3A_505 {strides = array<i32>} : memref<2x200x128xf32, #tpu.memory_space<vmem>>, vector<1x1x16xf32>,
        %get3A_506 = arith.constant 0 : i32
        %get3A_507 = arith.index_cast %get3A_506 : i32 to index
        %get3A_508 = arith.index_cast %add3A_482 : i32 to index
        %get3A_509 = arith.constant 16 : index
        %get3A_510 = tpu.vector_load %arg7[%get3A_507, %get3A_508, %get3A_509] {strides = array<i32>} : memref<2x200x64xf32, #tpu.memory_space<vmem>>, vector<1x1x16xf32>,
        %get3A_511 = vector.shape_cast %get3A_510 : vector<1x1x16xf32> to vector<16xf32>
        %get3A_512 = arith.constant 0 : i32
        %get3A_513 = arith.index_cast %get3A_512 : i32 to index
        %get3A_514 = arith.index_cast %add3A_482 : i32 to index
        %get3A_515 = arith.constant 16 : index
        %get3A_516 = tpu.vector_load %arg8[%get3A_513, %get3A_514, %get3A_515] {strides = array<i32>} : memref<2x200x64xf32, #tpu.memory_space<vmem>>, vector<1x1x16xf32>,
        %get3A_517 = vector.shape_cast %get3A_516 : vector<1x1x16xf32> to vector<16xf32>
        %mul3A_518 = arith.constant 8.000000e+00 : f32
        %mul3A_519 = vector.broadcast %mul3A_518 : f32 to vector<16xf32>
        %mul3A_520 = arith.mulf %mul3A_519, %get3A_517 : vector<16xf32>
        %add3A_521 = arith.addf %get3A_511, %mul3A_520 : vector<16xf32>
        %swap3A_522 = arith.constant 0 : i32
        %swap3A_523 = arith.index_cast %swap3A_522 : i32 to index
        %swap3A_524 = arith.index_cast %add3A_482 : i32 to index
        %swap3A_525 = arith.constant 16 : index
        %swap3A_526 = tpu.vector_load %arg9[%swap3A_523, %swap3A_524, %swap3A_525] {strides = array<i32>} : memref<2x200x128xf32, #tpu.memory_space<vmem>>, vector<1x1x16xf32>,
        %swap3A_527 = vector.shape_cast %swap3A_526 : vector<1x1x16xf32> to vector<16xf32>
        %swap3A_528 = vector.shape_cast %add3A_521 : vector<16xf32> to vector<1x1x16xf32>
        tpu.vector_store %arg9[%swap3A_523, %swap3A_524, %swap3A_525], %swap3A_528 {strides = array<i32>} : memref<2x200x128xf32, #tpu.memory_space<vmem>>, vector<1x1x16xf32>,
        %get3A_529 = arith.constant 0 : i32
        %get3A_530 = arith.index_cast %get3A_529 : i32 to index
        %get3A_531 = arith.index_cast %add3A_482 : i32 to index
        %get3A_532 = arith.constant 32 : index
        %get3A_533 = tpu.vector_load %arg7[%get3A_530, %get3A_531, %get3A_532] {strides = array<i32>} : memref<2x200x64xf32, #tpu.memory_space<vmem>>, vector<1x1x16xf32>,
        %get3A_534 = vector.shape_cast %get3A_533 : vector<1x1x16xf32> to vector<16xf32>
        %get3A_535 = arith.constant 0 : i32
        %get3A_536 = arith.index_cast %get3A_535 : i32 to index
        %get3A_537 = arith.index_cast %add3A_482 : i32 to index
        %get3A_538 = arith.constant 32 : index
        %get3A_539 = tpu.vector_load %arg8[%get3A_536, %get3A_537, %get3A_538] {strides = array<i32>} : memref<2x200x64xf32, #tpu.memory_space<vmem>>, vector<1x1x16xf32>,
        %get3A_540 = vector.shape_cast %get3A_539 : vector<1x1x16xf32> to vector<16xf32>
        %mul3A_541 = arith.constant 8.000000e+00 : f32
        %mul3A_542 = vector.broadcast %mul3A_541 : f32 to vector<16xf32>
        %mul3A_543 = arith.mulf %mul3A_542, %get3A_540 : vector<16xf32>
        %add3A_544 = arith.addf %get3A_534, %mul3A_543 : vector<16xf32>
        %swap3A_545 = arith.constant 0 : i32
        %swap3A_546 = arith.index_cast %swap3A_545 : i32 to index
        %swap3A_547 = arith.index_cast %add3A_482 : i32 to index
        %swap3A_548 = arith.constant 32 : index
        %swap3A_549 = tpu.vector_load %arg9[%swap3A_546, %swap3A_547, %swap3A_548] {strides = array<i32>} : memref<2x200x128xf32, #tpu.memory_space<vmem>>, vector<1x1x16xf32>,
        %swap3A_550 = vector.shape_cast %swap3A_549 : vector<1x1x16xf32> to vector<16xf32>
        %swap3A_551 = vector.shape_cast %add3A_544 : vector<16xf32> to vector<1x1x16xf32>
        tpu.vector_store %arg9[%swap3A_546, %swap3A_547, %swap3A_548], %swap3A_551 {strides = array<i32>} : memref<2x200x128xf32, #tpu.memory_space<vmem>>, vector<1x1x16xf32>,
        %get3A_552 = arith.constant 0 : i32
        %get3A_553 = arith.index_cast %get3A_552 : i32 to index
        %get3A_554 = arith.index_cast %add3A_482 : i32 to index
        %get3A_555 = arith.constant 48 : index
        %get3A_556 = tpu.vector_load %arg7[%get3A_553, %get3A_554, %get3A_555] {strides = array<i32>} : memref<2x200x64xf32, #tpu.memory_space<vmem>>, vector<1x1x16xf32>,
        %get3A_557 = vector.shape_cast %get3A_556 : vector<1x1x16xf32> to vector<16xf32>
        %get3A_558 = arith.constant 0 : i32
        %get3A_559 = arith.index_cast %get3A_558 : i32 to index
        %get3A_560 = arith.index_cast %add3A_482 : i32 to index
        %get3A_561 = arith.constant 48 : index
        %get3A_562 = tpu.vector_load %arg8[%get3A_559, %get3A_560, %get3A_561] {strides = array<i32>} : memref<2x200x64xf32, #tpu.memory_space<vmem>>, vector<1x1x16xf32>,
        %get3A_563 = vector.shape_cast %get3A_562 : vector<1x1x16xf32> to vector<16xf32>
        %mul3A_564 = arith.constant 8.000000e+00 : f32
        %mul3A_565 = vector.broadcast %mul3A_564 : f32 to vector<16xf32>
        %mul3A_566 = arith.mulf %mul3A_565, %get3A_563 : vector<16xf32>
        %add3A_567 = arith.addf %get3A_557, %mul3A_566 : vector<16xf32>
        %swap3A_568 = arith.constant 0 : i32
        %swap3A_569 = arith.index_cast %swap3A_568 : i32 to index
        %swap3A_570 = arith.index_cast %add3A_482 : i32 to index
        %swap3A_571 = arith.constant 48 : index
        %swap3A_572 = tpu.vector_load %arg9[%swap3A_569, %swap3A_570, %swap3A_571] {strides = array<i32>} : memref<2x200x128xf32, #tpu.memory_space<vmem>>, vector<1x1x16xf32>,
        %swap3A_573 = vector.shape_cast %swap3A_572 : vector<1x1x16xf32> to vector<16xf32>
        %swap3A_574 = vector.shape_cast %add3A_567 : vector<16xf32> to vector<1x1x16xf32>
        tpu.vector_store %arg9[%swap3A_569, %swap3A_570, %swap3A_571], %swap3A_574 {strides = array<i32>} : memref<2x200x128xf32, #tpu.memory_space<vmem>>, vector<1x1x16xf32>,
      }
      %scan3A_106 = arith.constant 200 : i32
      %mul3A_107 = arith.constant 200 : i32
      %mul3A_108 = arith.muli %add3A_79, %mul3A_107 : i32
      %add3A_109 = arith.addi %mul3A_2, %mul3A_108 : i32
      %dma_start3A_110 = arith.constant 0 : i32
      %dma_start3A_111 = arith.constant 0 : i32
      %dma_start3A_112 = arith.constant 0 : i32
      %dma_start3A_113 = tpu.memref_slice %arg9[%dma_start3A_110, %dma_start3A_111, %dma_start3A_112] : memref<2x200x128xf32, #tpu.memory_space<vmem>> -> memref<1x200x128xf32, #tpu.memory_space<vmem>>
      %dma_start3A_114 = tpu.memref_squeeze %dma_start3A_113 : memref<1x200x128xf32, #tpu.memory_space<vmem>> -> memref<200x128xf32, #tpu.memory_space<vmem>>
      %dma_start3A_115 = arith.constant 0 : i32
      %dma_start3A_116 = tpu.memref_slice %arg5[%add3A_109, %dma_start3A_115] : memref<819200x128xf32, #tpu.memory_space<hbm>> -> memref<200x128xf32, #tpu.memory_space<hbm>>
      %dma_start3A_117 = arith.constant 0 : i32
      %dma_start3A_118 = tpu.memref_slice %arg5[%add3A_109, %dma_start3A_117] : memref<819200x128xf32, #tpu.memory_space<hbm>> -> memref<200x128xf32, #tpu.memory_space<hbm>>
      %dma_start3A_119 = arith.constant 0 : i32
      %dma_start3A_120 = arith.constant 0 : i32
      %dma_start3A_121 = tpu.memref_slice %arg9[%dma_start3A_110, %dma_start3A_119, %dma_start3A_120] : memref<2x200x128xf32, #tpu.memory_space<vmem>> -> memref<1x200x128xf32, #tpu.memory_space<vmem>>
      %dma_start3A_122 = tpu.memref_squeeze %dma_start3A_121 : memref<1x200x128xf32, #tpu.memory_space<vmem>> -> memref<200x128xf32, #tpu.memory_space<vmem>>
      tpu.enqueue_dma source(%dma_start3A_122 : memref<200x128xf32, #tpu.memory_space<vmem>>) target(%dma_start3A_118 : memref<200x128xf32, #tpu.memory_space<hbm>>) target_semaphore(%arg14 : memref<!tpu.dma_semaphore, #tpu.memory_space<semaphore_mem>>)
      %add3A_123 = arith.constant 2 : i32
      %add3A_124 = arith.addi %add3A_79, %add3A_123 : i32
      %lt3A = arith.constant 128 : i32
      %lt3A_125 = arith.cmpi slt, %add3A_124, %lt3A : i32
      %convert_element_type3A_126 = arith.extui %lt3A_125 : i1 to i32
      %cond3A_127 = arith.constant 0 : i32
      %cond3A_128 = arith.cmpi ne, %convert_element_type3A_126, %cond3A_127 : i32
      scf.if %cond3A_128 {
        %add3A_186 = arith.constant 2 : i32
        %add3A_187 = arith.addi %add3A_79, %add3A_186 : i32
        %mul3A_188 = arith.constant 200 : i32
        %mul3A_189 = arith.muli %add3A_187, %mul3A_188 : i32
        %dma_start3A_190 = arith.constant 0 : i32
        %dma_start3A_191 = arith.constant 0 : i32
        %dma_start3A_192 = arith.constant 0 : i32
        %dma_start3A_193 = tpu.memref_slice %arg7[%dma_start3A_190, %dma_start3A_191, %dma_start3A_192] : memref<2x200x64xf32, #tpu.memory_space<vmem>> -> memref<1x200x64xf32, #tpu.memory_space<vmem>>
        %dma_start3A_194 = tpu.memref_squeeze %dma_start3A_193 : memref<1x200x64xf32, #tpu.memory_space<vmem>> -> memref<200x64xf32, #tpu.memory_space<vmem>>
        %dma_start3A_195 = tpu.memref_slice %arg6[%mul3A_189] : memref<25600xi32, #tpu.memory_space<vmem>> -> memref<200xi32, #tpu.memory_space<vmem>>
        %dma_start3A_196 = arith.constant 0 : i32
        %dma_start3A_197 = arith.constant 0 : i32
        %dma_start3A_198 = tpu.memref_slice %arg2[%dma_start3A_196, %dma_start3A_197] : memref<1000000x64xf32, #tpu.memory_space<hbm>> -> memref<1000000x64xf32, #tpu.memory_space<hbm>>
        tpu.enqueue_indirect_dma source(%dma_start3A_198 : memref<1000000x64xf32, #tpu.memory_space<hbm>>) target(%dma_start3A_194 : memref<200x64xf32, #tpu.memory_space<vmem>>) offsets(%dma_start3A_195 : memref<200xi32, #tpu.memory_space<vmem>>) semaphore(%arg10 : memref<!tpu.dma_semaphore, #tpu.memory_space<semaphore_mem>>)
        %dma_start3A_199 = arith.constant 0 : i32
        %dma_start3A_200 = arith.constant 0 : i32
        %dma_start3A_201 = arith.constant 0 : i32
        %dma_start3A_202 = tpu.memref_slice %arg8[%dma_start3A_199, %dma_start3A_200, %dma_start3A_201] : memref<2x200x64xf32, #tpu.memory_space<vmem>> -> memref<1x200x64xf32, #tpu.memory_space<vmem>>
        %dma_start3A_203 = tpu.memref_squeeze %dma_start3A_202 : memref<1x200x64xf32, #tpu.memory_space<vmem>> -> memref<200x64xf32, #tpu.memory_space<vmem>>
        %dma_start3A_204 = tpu.memref_slice %arg6[%mul3A_189] : memref<25600xi32, #tpu.memory_space<vmem>> -> memref<200xi32, #tpu.memory_space<vmem>>
        %dma_start3A_205 = arith.constant 0 : i32
        %dma_start3A_206 = arith.constant 0 : i32
        %dma_start3A_207 = tpu.memref_slice %arg3[%dma_start3A_205, %dma_start3A_206] : memref<1000000x64xf32, #tpu.memory_space<hbm>> -> memref<1000000x64xf32, #tpu.memory_space<hbm>>
        tpu.enqueue_indirect_dma source(%dma_start3A_207 : memref<1000000x64xf32, #tpu.memory_space<hbm>>) target(%dma_start3A_203 : memref<200x64xf32, #tpu.memory_space<vmem>>) offsets(%dma_start3A_204 : memref<200xi32, #tpu.memory_space<vmem>>) semaphore(%arg12 : memref<!tpu.dma_semaphore, #tpu.memory_space<semaphore_mem>>)
      } else {
      }
      %mul3A_129 = arith.constant 2 : i32
      %mul3A_130 = arith.muli %add3A_75, %mul3A_129 : i32
      %add3A_131 = arith.constant 1 : i32
      %add3A_132 = arith.addi %mul3A_130, %add3A_131 : i32
      %mul3A_133 = arith.constant 200 : i32
      %mul3A_134 = arith.muli %add3A_132, %mul3A_133 : i32
      %dma_wait3A_135 = arith.constant 1 : i32
      %dma_wait3A_136 = arith.constant 0 : i32
      %dma_wait3A_137 = arith.constant 0 : i32
      %dma_wait3A_138 = tpu.memref_slice %arg7[%dma_wait3A_135, %dma_wait3A_136, %dma_wait3A_137] : memref<2x200x64xf32, #tpu.memory_space<vmem>> -> memref<1x200x64xf32, #tpu.memory_space<vmem>>
      %dma_wait3A_139 = tpu.memref_squeeze %dma_wait3A_138 : memref<1x200x64xf32, #tpu.memory_space<vmem>> -> memref<200x64xf32, #tpu.memory_space<vmem>>
      %dma_wait3A_140 = tpu.memref_slice %arg6[%mul3A_134] : memref<25600xi32, #tpu.memory_space<vmem>> -> memref<200xi32, #tpu.memory_space<vmem>>
      %dma_wait3A_141 = arith.constant 0 : i32
      %dma_wait3A_142 = arith.constant 0 : i32
      %dma_wait3A_143 = tpu.memref_slice %arg2[%dma_wait3A_141, %dma_wait3A_142] : memref<1000000x64xf32, #tpu.memory_space<hbm>> -> memref<1000000x64xf32, #tpu.memory_space<hbm>>
      tpu.wait_indirect_dma semaphore(%arg11 : memref<!tpu.dma_semaphore, #tpu.memory_space<semaphore_mem>>) src(%dma_wait3A_143 : memref<1000000x64xf32, #tpu.memory_space<hbm>>) dst(%dma_wait3A_139 : memref<200x64xf32, #tpu.memory_space<vmem>>)
      %dma_wait3A_144 = arith.constant 1 : i32
      %dma_wait3A_145 = arith.constant 0 : i32
      %dma_wait3A_146 = arith.constant 0 : i32
      %dma_wait3A_147 = tpu.memref_slice %arg8[%dma_wait3A_144, %dma_wait3A_145, %dma_wait3A_146] : memref<2x200x64xf32, #tpu.memory_space<vmem>> -> memref<1x200x64xf32, #tpu.memory_space<vmem>>
      %dma_wait3A_148 = tpu.memref_squeeze %dma_wait3A_147 : memref<1x200x64xf32, #tpu.memory_space<vmem>> -> memref<200x64xf32, #tpu.memory_space<vmem>>
      %dma_wait3A_149 = tpu.memref_slice %arg6[%mul3A_134] : memref<25600xi32, #tpu.memory_space<vmem>> -> memref<200xi32, #tpu.memory_space<vmem>>
      %dma_wait3A_150 = arith.constant 0 : i32
      %dma_wait3A_151 = arith.constant 0 : i32
      %dma_wait3A_152 = tpu.memref_slice %arg3[%dma_wait3A_150, %dma_wait3A_151] : memref<1000000x64xf32, #tpu.memory_space<hbm>> -> memref<1000000x64xf32, #tpu.memory_space<hbm>>
      tpu.wait_indirect_dma semaphore(%arg13 : memref<!tpu.dma_semaphore, #tpu.memory_space<semaphore_mem>>) src(%dma_wait3A_152 : memref<1000000x64xf32, #tpu.memory_space<hbm>>) dst(%dma_wait3A_148 : memref<200x64xf32, #tpu.memory_space<vmem>>)
      %gt3A_153 = arith.constant 0 : i32
      %gt3A_154 = arith.cmpi sgt, %add3A_75, %gt3A_153 : i32
      %convert_element_type3A_155 = arith.extui %gt3A_154 : i1 to i32
      %cond3A_156 = arith.constant 0 : i32
      %cond3A_157 = arith.cmpi ne, %convert_element_type3A_155, %cond3A_156 : i32
      scf.if %cond3A_157 {
        %dma_wait3A_186 = arith.constant 1 : i32
        %dma_wait3A_187 = arith.constant 0 : i32
        %dma_wait3A_188 = arith.constant 0 : i32
        %dma_wait3A_189 = tpu.memref_slice %arg9[%dma_wait3A_186, %dma_wait3A_187, %dma_wait3A_188] : memref<2x200x128xf32, #tpu.memory_space<vmem>> -> memref<1x200x128xf32, #tpu.memory_space<vmem>>
        %dma_wait3A_190 = tpu.memref_squeeze %dma_wait3A_189 : memref<1x200x128xf32, #tpu.memory_space<vmem>> -> memref<200x128xf32, #tpu.memory_space<vmem>>
        %dma_wait3A_191 = arith.constant 0 : i32
        %dma_wait3A_192 = tpu.memref_slice %arg5[%mul3A_2, %dma_wait3A_191] : memref<819200x128xf32, #tpu.memory_space<hbm>> -> memref<200x128xf32, #tpu.memory_space<hbm>>
        %dma_wait3A_193 = arith.constant 0 : i32
        %dma_wait3A_194 = tpu.memref_slice %arg5[%mul3A_2, %dma_wait3A_193] : memref<819200x128xf32, #tpu.memory_space<hbm>> -> memref<200x128xf32, #tpu.memory_space<hbm>>
        %dma_wait3A_195 = arith.constant 0 : i32
        %dma_wait3A_196 = arith.constant 0 : i32
        %dma_wait3A_197 = tpu.memref_slice %arg9[%dma_wait3A_186, %dma_wait3A_195, %dma_wait3A_196] : memref<2x200x128xf32, #tpu.memory_space<vmem>> -> memref<1x200x128xf32, #tpu.memory_space<vmem>>
        %dma_wait3A_198 = tpu.memref_squeeze %dma_wait3A_197 : memref<1x200x128xf32, #tpu.memory_space<vmem>> -> memref<200x128xf32, #tpu.memory_space<vmem>>
        tpu.wait_dma2 semaphore(%arg15 : memref<!tpu.dma_semaphore, #tpu.memory_space<semaphore_mem>>) src(%dma_wait3A_198 : memref<200x128xf32, #tpu.memory_space<vmem>>) dst(%dma_wait3A_194 : memref<200x128xf32, #tpu.memory_space<hbm>>)
      } else {
      }
      %scan3A_158 = arith.constant 0 : i32
      %scan3A_159 = arith.constant 200 : i32
      %scan3A_160 = arith.addi %scan3A_158, %scan3A_159 : i32
      %scan3A_161 = arith.constant 4 : i32
      scf.for %scan3A_186 = %scan3A_158 to %scan3A_160 step %scan3A_161  : i32 {
        %mul3A_187 = arith.constant 1 : i32
        %mul3A_188 = arith.muli %scan3A_186, %mul3A_187 : i32
        %add3A_189 = arith.constant 0 : i32
        %add3A_190 = arith.addi %add3A_189, %mul3A_188 : i32
        %get3A = arith.constant 1 : i32
        %get3A_191 = arith.index_cast %get3A : i32 to index
        %get3A_192 = arith.index_cast %add3A_190 : i32 to index
        %get3A_193 = arith.constant 0 : index
        %get3A_194 = tpu.vector_load %arg7[%get3A_191, %get3A_192, %get3A_193] {strides = array<i32>} : memref<2x200x64xf32, #tpu.memory_space<vmem>>, vector<1x1x16xf32>,
        %get3A_195 = vector.shape_cast %get3A_194 : vector<1x1x16xf32> to vector<16xf32>
        %get3A_196 = arith.constant 1 : i32
        %get3A_197 = arith.index_cast %get3A_196 : i32 to index
        %get3A_198 = arith.index_cast %add3A_190 : i32 to index
        %get3A_199 = arith.constant 0 : index
        %get3A_200 = tpu.vector_load %arg8[%get3A_197, %get3A_198, %get3A_199] {strides = array<i32>} : memref<2x200x64xf32, #tpu.memory_space<vmem>>, vector<1x1x16xf32>,
        %get3A_201 = vector.shape_cast %get3A_200 : vector<1x1x16xf32> to vector<16xf32>
        %mul3A_202 = arith.constant 8.000000e+00 : f32
        %mul3A_203 = vector.broadcast %mul3A_202 : f32 to vector<16xf32>
        %mul3A_204 = arith.mulf %mul3A_203, %get3A_201 : vector<16xf32>
        %add3A_205 = arith.addf %get3A_195, %mul3A_204 : vector<16xf32>
        %swap3A = arith.constant 1 : i32
        %swap3A_206 = arith.index_cast %swap3A : i32 to index
        %swap3A_207 = arith.index_cast %add3A_190 : i32 to index
        %swap3A_208 = arith.constant 0 : index
        %swap3A_209 = tpu.vector_load %arg9[%swap3A_206, %swap3A_207, %swap3A_208] {strides = array<i32>} : memref<2x200x128xf32, #tpu.memory_space<vmem>>, vector<1x1x16xf32>,
        %swap3A_210 = vector.shape_cast %swap3A_209 : vector<1x1x16xf32> to vector<16xf32>
        %swap3A_211 = vector.shape_cast %add3A_205 : vector<16xf32> to vector<1x1x16xf32>
        tpu.vector_store %arg9[%swap3A_206, %swap3A_207, %swap3A_208], %swap3A_211 {strides = array<i32>} : memref<2x200x128xf32, #tpu.memory_space<vmem>>, vector<1x1x16xf32>,
        %get3A_212 = arith.constant 1 : i32
        %get3A_213 = arith.index_cast %get3A_212 : i32 to index
        %get3A_214 = arith.index_cast %add3A_190 : i32 to index
        %get3A_215 = arith.constant 16 : index
        %get3A_216 = tpu.vector_load %arg7[%get3A_213, %get3A_214, %get3A_215] {strides = array<i32>} : memref<2x200x64xf32, #tpu.memory_space<vmem>>, vector<1x1x16xf32>,
        %get3A_217 = vector.shape_cast %get3A_216 : vector<1x1x16xf32> to vector<16xf32>
        %get3A_218 = arith.constant 1 : i32
        %get3A_219 = arith.index_cast %get3A_218 : i32 to index
        %get3A_220 = arith.index_cast %add3A_190 : i32 to index
        %get3A_221 = arith.constant 16 : index
        %get3A_222 = tpu.vector_load %arg8[%get3A_219, %get3A_220, %get3A_221] {strides = array<i32>} : memref<2x200x64xf32, #tpu.memory_space<vmem>>, vector<1x1x16xf32>,
        %get3A_223 = vector.shape_cast %get3A_222 : vector<1x1x16xf32> to vector<16xf32>
        %mul3A_224 = arith.constant 8.000000e+00 : f32
        %mul3A_225 = vector.broadcast %mul3A_224 : f32 to vector<16xf32>
        %mul3A_226 = arith.mulf %mul3A_225, %get3A_223 : vector<16xf32>
        %add3A_227 = arith.addf %get3A_217, %mul3A_226 : vector<16xf32>
        %swap3A_228 = arith.constant 1 : i32
        %swap3A_229 = arith.index_cast %swap3A_228 : i32 to index
        %swap3A_230 = arith.index_cast %add3A_190 : i32 to index
        %swap3A_231 = arith.constant 16 : index
        %swap3A_232 = tpu.vector_load %arg9[%swap3A_229, %swap3A_230, %swap3A_231] {strides = array<i32>} : memref<2x200x128xf32, #tpu.memory_space<vmem>>, vector<1x1x16xf32>,
        %swap3A_233 = vector.shape_cast %swap3A_232 : vector<1x1x16xf32> to vector<16xf32>
        %swap3A_234 = vector.shape_cast %add3A_227 : vector<16xf32> to vector<1x1x16xf32>
        tpu.vector_store %arg9[%swap3A_229, %swap3A_230, %swap3A_231], %swap3A_234 {strides = array<i32>} : memref<2x200x128xf32, #tpu.memory_space<vmem>>, vector<1x1x16xf32>,
        %get3A_235 = arith.constant 1 : i32
        %get3A_236 = arith.index_cast %get3A_235 : i32 to index
        %get3A_237 = arith.index_cast %add3A_190 : i32 to index
        %get3A_238 = arith.constant 32 : index
        %get3A_239 = tpu.vector_load %arg7[%get3A_236, %get3A_237, %get3A_238] {strides = array<i32>} : memref<2x200x64xf32, #tpu.memory_space<vmem>>, vector<1x1x16xf32>,
        %get3A_240 = vector.shape_cast %get3A_239 : vector<1x1x16xf32> to vector<16xf32>
        %get3A_241 = arith.constant 1 : i32
        %get3A_242 = arith.index_cast %get3A_241 : i32 to index
        %get3A_243 = arith.index_cast %add3A_190 : i32 to index
        %get3A_244 = arith.constant 32 : index
        %get3A_245 = tpu.vector_load %arg8[%get3A_242, %get3A_243, %get3A_244] {strides = array<i32>} : memref<2x200x64xf32, #tpu.memory_space<vmem>>, vector<1x1x16xf32>,
        %get3A_246 = vector.shape_cast %get3A_245 : vector<1x1x16xf32> to vector<16xf32>
        %mul3A_247 = arith.constant 8.000000e+00 : f32
        %mul3A_248 = vector.broadcast %mul3A_247 : f32 to vector<16xf32>
        %mul3A_249 = arith.mulf %mul3A_248, %get3A_246 : vector<16xf32>
        %add3A_250 = arith.addf %get3A_240, %mul3A_249 : vector<16xf32>
        %swap3A_251 = arith.constant 1 : i32
        %swap3A_252 = arith.index_cast %swap3A_251 : i32 to index
        %swap3A_253 = arith.index_cast %add3A_190 : i32 to index
        %swap3A_254 = arith.constant 32 : index
        %swap3A_255 = tpu.vector_load %arg9[%swap3A_252, %swap3A_253, %swap3A_254] {strides = array<i32>} : memref<2x200x128xf32, #tpu.memory_space<vmem>>, vector<1x1x16xf32>,
        %swap3A_256 = vector.shape_cast %swap3A_255 : vector<1x1x16xf32> to vector<16xf32>
        %swap3A_257 = vector.shape_cast %add3A_250 : vector<16xf32> to vector<1x1x16xf32>
        tpu.vector_store %arg9[%swap3A_252, %swap3A_253, %swap3A_254], %swap3A_257 {strides = array<i32>} : memref<2x200x128xf32, #tpu.memory_space<vmem>>, vector<1x1x16xf32>,
        %get3A_258 = arith.constant 1 : i32
        %get3A_259 = arith.index_cast %get3A_258 : i32 to index
        %get3A_260 = arith.index_cast %add3A_190 : i32 to index
        %get3A_261 = arith.constant 48 : index
        %get3A_262 = tpu.vector_load %arg7[%get3A_259, %get3A_260, %get3A_261] {strides = array<i32>} : memref<2x200x64xf32, #tpu.memory_space<vmem>>, vector<1x1x16xf32>,
        %get3A_263 = vector.shape_cast %get3A_262 : vector<1x1x16xf32> to vector<16xf32>
        %get3A_264 = arith.constant 1 : i32
        %get3A_265 = arith.index_cast %get3A_264 : i32 to index
        %get3A_266 = arith.index_cast %add3A_190 : i32 to index
        %get3A_267 = arith.constant 48 : index
        %get3A_268 = tpu.vector_load %arg8[%get3A_265, %get3A_266, %get3A_267] {strides = array<i32>} : memref<2x200x64xf32, #tpu.memory_space<vmem>>, vector<1x1x16xf32>,
        %get3A_269 = vector.shape_cast %get3A_268 : vector<1x1x16xf32> to vector<16xf32>
        %mul3A_270 = arith.constant 8.000000e+00 : f32
        %mul3A_271 = vector.broadcast %mul3A_270 : f32 to vector<16xf32>
        %mul3A_272 = arith.mulf %mul3A_271, %get3A_269 : vector<16xf32>
        %add3A_273 = arith.addf %get3A_263, %mul3A_272 : vector<16xf32>
        %swap3A_274 = arith.constant 1 : i32
        %swap3A_275 = arith.index_cast %swap3A_274 : i32 to index
        %swap3A_276 = arith.index_cast %add3A_190 : i32 to index
        %swap3A_277 = arith.constant 48 : index
        %swap3A_278 = tpu.vector_load %arg9[%swap3A_275, %swap3A_276, %swap3A_277] {strides = array<i32>} : memref<2x200x128xf32, #tpu.memory_space<vmem>>, vector<1x1x16xf32>,
        %swap3A_279 = vector.shape_cast %swap3A_278 : vector<1x1x16xf32> to vector<16xf32>
        %swap3A_280 = vector.shape_cast %add3A_273 : vector<16xf32> to vector<1x1x16xf32>
        tpu.vector_store %arg9[%swap3A_275, %swap3A_276, %swap3A_277], %swap3A_280 {strides = array<i32>} : memref<2x200x128xf32, #tpu.memory_space<vmem>>, vector<1x1x16xf32>,
        %scan3A_281 = arith.constant 1 : i32
        %scan3A_282 = arith.addi %scan3A_186, %scan3A_281 : i32
        %mul3A_283 = arith.constant 1 : i32
        %mul3A_284 = arith.muli %scan3A_282, %mul3A_283 : i32
        %add3A_285 = arith.constant 0 : i32
        %add3A_286 = arith.addi %add3A_285, %mul3A_284 : i32
        %get3A_287 = arith.constant 1 : i32
        %get3A_288 = arith.index_cast %get3A_287 : i32 to index
        %get3A_289 = arith.index_cast %add3A_286 : i32 to index
        %get3A_290 = arith.constant 0 : index
        %get3A_291 = tpu.vector_load %arg7[%get3A_288, %get3A_289, %get3A_290] {strides = array<i32>} : memref<2x200x64xf32, #tpu.memory_space<vmem>>, vector<1x1x16xf32>,
        %get3A_292 = vector.shape_cast %get3A_291 : vector<1x1x16xf32> to vector<16xf32>
        %get3A_293 = arith.constant 1 : i32
        %get3A_294 = arith.index_cast %get3A_293 : i32 to index
        %get3A_295 = arith.index_cast %add3A_286 : i32 to index
        %get3A_296 = arith.constant 0 : index
        %get3A_297 = tpu.vector_load %arg8[%get3A_294, %get3A_295, %get3A_296] {strides = array<i32>} : memref<2x200x64xf32, #tpu.memory_space<vmem>>, vector<1x1x16xf32>,
        %get3A_298 = vector.shape_cast %get3A_297 : vector<1x1x16xf32> to vector<16xf32>
        %mul3A_299 = arith.constant 8.000000e+00 : f32
        %mul3A_300 = vector.broadcast %mul3A_299 : f32 to vector<16xf32>
        %mul3A_301 = arith.mulf %mul3A_300, %get3A_298 : vector<16xf32>
        %add3A_302 = arith.addf %get3A_292, %mul3A_301 : vector<16xf32>
        %swap3A_303 = arith.constant 1 : i32
        %swap3A_304 = arith.index_cast %swap3A_303 : i32 to index
        %swap3A_305 = arith.index_cast %add3A_286 : i32 to index
        %swap3A_306 = arith.constant 0 : index
        %swap3A_307 = tpu.vector_load %arg9[%swap3A_304, %swap3A_305, %swap3A_306] {strides = array<i32>} : memref<2x200x128xf32, #tpu.memory_space<vmem>>, vector<1x1x16xf32>,
        %swap3A_308 = vector.shape_cast %swap3A_307 : vector<1x1x16xf32> to vector<16xf32>
        %swap3A_309 = vector.shape_cast %add3A_302 : vector<16xf32> to vector<1x1x16xf32>
        tpu.vector_store %arg9[%swap3A_304, %swap3A_305, %swap3A_306], %swap3A_309 {strides = array<i32>} : memref<2x200x128xf32, #tpu.memory_space<vmem>>, vector<1x1x16xf32>,
        %get3A_310 = arith.constant 1 : i32
        %get3A_311 = arith.index_cast %get3A_310 : i32 to index
        %get3A_312 = arith.index_cast %add3A_286 : i32 to index
        %get3A_313 = arith.constant 16 : index
        %get3A_314 = tpu.vector_load %arg7[%get3A_311, %get3A_312, %get3A_313] {strides = array<i32>} : memref<2x200x64xf32, #tpu.memory_space<vmem>>, vector<1x1x16xf32>,
        %get3A_315 = vector.shape_cast %get3A_314 : vector<1x1x16xf32> to vector<16xf32>
        %get3A_316 = arith.constant 1 : i32
        %get3A_317 = arith.index_cast %get3A_316 : i32 to index
        %get3A_318 = arith.index_cast %add3A_286 : i32 to index
        %get3A_319 = arith.constant 16 : index
        %get3A_320 = tpu.vector_load %arg8[%get3A_317, %get3A_318, %get3A_319] {strides = array<i32>} : memref<2x200x64xf32, #tpu.memory_space<vmem>>, vector<1x1x16xf32>,
        %get3A_321 = vector.shape_cast %get3A_320 : vector<1x1x16xf32> to vector<16xf32>
        %mul3A_322 = arith.constant 8.000000e+00 : f32
        %mul3A_323 = vector.broadcast %mul3A_322 : f32 to vector<16xf32>
        %mul3A_324 = arith.mulf %mul3A_323, %get3A_321 : vector<16xf32>
        %add3A_325 = arith.addf %get3A_315, %mul3A_324 : vector<16xf32>
        %swap3A_326 = arith.constant 1 : i32
        %swap3A_327 = arith.index_cast %swap3A_326 : i32 to index
        %swap3A_328 = arith.index_cast %add3A_286 : i32 to index
        %swap3A_329 = arith.constant 16 : index
        %swap3A_330 = tpu.vector_load %arg9[%swap3A_327, %swap3A_328, %swap3A_329] {strides = array<i32>} : memref<2x200x128xf32, #tpu.memory_space<vmem>>, vector<1x1x16xf32>,
        %swap3A_331 = vector.shape_cast %swap3A_330 : vector<1x1x16xf32> to vector<16xf32>
        %swap3A_332 = vector.shape_cast %add3A_325 : vector<16xf32> to vector<1x1x16xf32>
        tpu.vector_store %arg9[%swap3A_327, %swap3A_328, %swap3A_329], %swap3A_332 {strides = array<i32>} : memref<2x200x128xf32, #tpu.memory_space<vmem>>, vector<1x1x16xf32>,
        %get3A_333 = arith.constant 1 : i32
        %get3A_334 = arith.index_cast %get3A_333 : i32 to index
        %get3A_335 = arith.index_cast %add3A_286 : i32 to index
        %get3A_336 = arith.constant 32 : index
        %get3A_337 = tpu.vector_load %arg7[%get3A_334, %get3A_335, %get3A_336] {strides = array<i32>} : memref<2x200x64xf32, #tpu.memory_space<vmem>>, vector<1x1x16xf32>,
        %get3A_338 = vector.shape_cast %get3A_337 : vector<1x1x16xf32> to vector<16xf32>
        %get3A_339 = arith.constant 1 : i32
        %get3A_340 = arith.index_cast %get3A_339 : i32 to index
        %get3A_341 = arith.index_cast %add3A_286 : i32 to index
        %get3A_342 = arith.constant 32 : index
        %get3A_343 = tpu.vector_load %arg8[%get3A_340, %get3A_341, %get3A_342] {strides = array<i32>} : memref<2x200x64xf32, #tpu.memory_space<vmem>>, vector<1x1x16xf32>,
        %get3A_344 = vector.shape_cast %get3A_343 : vector<1x1x16xf32> to vector<16xf32>
        %mul3A_345 = arith.constant 8.000000e+00 : f32
        %mul3A_346 = vector.broadcast %mul3A_345 : f32 to vector<16xf32>
        %mul3A_347 = arith.mulf %mul3A_346, %get3A_344 : vector<16xf32>
        %add3A_348 = arith.addf %get3A_338, %mul3A_347 : vector<16xf32>
        %swap3A_349 = arith.constant 1 : i32
        %swap3A_350 = arith.index_cast %swap3A_349 : i32 to index
        %swap3A_351 = arith.index_cast %add3A_286 : i32 to index
        %swap3A_352 = arith.constant 32 : index
        %swap3A_353 = tpu.vector_load %arg9[%swap3A_350, %swap3A_351, %swap3A_352] {strides = array<i32>} : memref<2x200x128xf32, #tpu.memory_space<vmem>>, vector<1x1x16xf32>,
        %swap3A_354 = vector.shape_cast %swap3A_353 : vector<1x1x16xf32> to vector<16xf32>
        %swap3A_355 = vector.shape_cast %add3A_348 : vector<16xf32> to vector<1x1x16xf32>
        tpu.vector_store %arg9[%swap3A_350, %swap3A_351, %swap3A_352], %swap3A_355 {strides = array<i32>} : memref<2x200x128xf32, #tpu.memory_space<vmem>>, vector<1x1x16xf32>,
        %get3A_356 = arith.constant 1 : i32
        %get3A_357 = arith.index_cast %get3A_356 : i32 to index
        %get3A_358 = arith.index_cast %add3A_286 : i32 to index
        %get3A_359 = arith.constant 48 : index
        %get3A_360 = tpu.vector_load %arg7[%get3A_357, %get3A_358, %get3A_359] {strides = array<i32>} : memref<2x200x64xf32, #tpu.memory_space<vmem>>, vector<1x1x16xf32>,
        %get3A_361 = vector.shape_cast %get3A_360 : vector<1x1x16xf32> to vector<16xf32>
        %get3A_362 = arith.constant 1 : i32
        %get3A_363 = arith.index_cast %get3A_362 : i32 to index
        %get3A_364 = arith.index_cast %add3A_286 : i32 to index
        %get3A_365 = arith.constant 48 : index
        %get3A_366 = tpu.vector_load %arg8[%get3A_363, %get3A_364, %get3A_365] {strides = array<i32>} : memref<2x200x64xf32, #tpu.memory_space<vmem>>, vector<1x1x16xf32>,
        %get3A_367 = vector.shape_cast %get3A_366 : vector<1x1x16xf32> to vector<16xf32>
        %mul3A_368 = arith.constant 8.000000e+00 : f32
        %mul3A_369 = vector.broadcast %mul3A_368 : f32 to vector<16xf32>
        %mul3A_370 = arith.mulf %mul3A_369, %get3A_367 : vector<16xf32>
        %add3A_371 = arith.addf %get3A_361, %mul3A_370 : vector<16xf32>
        %swap3A_372 = arith.constant 1 : i32
        %swap3A_373 = arith.index_cast %swap3A_372 : i32 to index
        %swap3A_374 = arith.index_cast %add3A_286 : i32 to index
        %swap3A_375 = arith.constant 48 : index
        %swap3A_376 = tpu.vector_load %arg9[%swap3A_373, %swap3A_374, %swap3A_375] {strides = array<i32>} : memref<2x200x128xf32, #tpu.memory_space<vmem>>, vector<1x1x16xf32>,
        %swap3A_377 = vector.shape_cast %swap3A_376 : vector<1x1x16xf32> to vector<16xf32>
        %swap3A_378 = vector.shape_cast %add3A_371 : vector<16xf32> to vector<1x1x16xf32>
        tpu.vector_store %arg9[%swap3A_373, %swap3A_374, %swap3A_375], %swap3A_378 {strides = array<i32>} : memref<2x200x128xf32, #tpu.memory_space<vmem>>, vector<1x1x16xf32>,
        %scan3A_379 = arith.constant 2 : i32
        %scan3A_380 = arith.addi %scan3A_186, %scan3A_379 : i32
        %mul3A_381 = arith.constant 1 : i32
        %mul3A_382 = arith.muli %scan3A_380, %mul3A_381 : i32
        %add3A_383 = arith.constant 0 : i32
        %add3A_384 = arith.addi %add3A_383, %mul3A_382 : i32
        %get3A_385 = arith.constant 1 : i32
        %get3A_386 = arith.index_cast %get3A_385 : i32 to index
        %get3A_387 = arith.index_cast %add3A_384 : i32 to index
        %get3A_388 = arith.constant 0 : index
        %get3A_389 = tpu.vector_load %arg7[%get3A_386, %get3A_387, %get3A_388] {strides = array<i32>} : memref<2x200x64xf32, #tpu.memory_space<vmem>>, vector<1x1x16xf32>,
        %get3A_390 = vector.shape_cast %get3A_389 : vector<1x1x16xf32> to vector<16xf32>
        %get3A_391 = arith.constant 1 : i32
        %get3A_392 = arith.index_cast %get3A_391 : i32 to index
        %get3A_393 = arith.index_cast %add3A_384 : i32 to index
        %get3A_394 = arith.constant 0 : index
        %get3A_395 = tpu.vector_load %arg8[%get3A_392, %get3A_393, %get3A_394] {strides = array<i32>} : memref<2x200x64xf32, #tpu.memory_space<vmem>>, vector<1x1x16xf32>,
        %get3A_396 = vector.shape_cast %get3A_395 : vector<1x1x16xf32> to vector<16xf32>
        %mul3A_397 = arith.constant 8.000000e+00 : f32
        %mul3A_398 = vector.broadcast %mul3A_397 : f32 to vector<16xf32>
        %mul3A_399 = arith.mulf %mul3A_398, %get3A_396 : vector<16xf32>
        %add3A_400 = arith.addf %get3A_390, %mul3A_399 : vector<16xf32>
        %swap3A_401 = arith.constant 1 : i32
        %swap3A_402 = arith.index_cast %swap3A_401 : i32 to index
        %swap3A_403 = arith.index_cast %add3A_384 : i32 to index
        %swap3A_404 = arith.constant 0 : index
        %swap3A_405 = tpu.vector_load %arg9[%swap3A_402, %swap3A_403, %swap3A_404] {strides = array<i32>} : memref<2x200x128xf32, #tpu.memory_space<vmem>>, vector<1x1x16xf32>,
        %swap3A_406 = vector.shape_cast %swap3A_405 : vector<1x1x16xf32> to vector<16xf32>
        %swap3A_407 = vector.shape_cast %add3A_400 : vector<16xf32> to vector<1x1x16xf32>
        tpu.vector_store %arg9[%swap3A_402, %swap3A_403, %swap3A_404], %swap3A_407 {strides = array<i32>} : memref<2x200x128xf32, #tpu.memory_space<vmem>>, vector<1x1x16xf32>,
        %get3A_408 = arith.constant 1 : i32
        %get3A_409 = arith.index_cast %get3A_408 : i32 to index
        %get3A_410 = arith.index_cast %add3A_384 : i32 to index
        %get3A_411 = arith.constant 16 : index
        %get3A_412 = tpu.vector_load %arg7[%get3A_409, %get3A_410, %get3A_411] {strides = array<i32>} : memref<2x200x64xf32, #tpu.memory_space<vmem>>, vector<1x1x16xf32>,
        %get3A_413 = vector.shape_cast %get3A_412 : vector<1x1x16xf32> to vector<16xf32>
        %get3A_414 = arith.constant 1 : i32
        %get3A_415 = arith.index_cast %get3A_414 : i32 to index
        %get3A_416 = arith.index_cast %add3A_384 : i32 to index
        %get3A_417 = arith.constant 16 : index
        %get3A_418 = tpu.vector_load %arg8[%get3A_415, %get3A_416, %get3A_417] {strides = array<i32>} : memref<2x200x64xf32, #tpu.memory_space<vmem>>, vector<1x1x16xf32>,
        %get3A_419 = vector.shape_cast %get3A_418 : vector<1x1x16xf32> to vector<16xf32>
        %mul3A_420 = arith.constant 8.000000e+00 : f32
        %mul3A_421 = vector.broadcast %mul3A_420 : f32 to vector<16xf32>
        %mul3A_422 = arith.mulf %mul3A_421, %get3A_419 : vector<16xf32>
        %add3A_423 = arith.addf %get3A_413, %mul3A_422 : vector<16xf32>
        %swap3A_424 = arith.constant 1 : i32
        %swap3A_425 = arith.index_cast %swap3A_424 : i32 to index
        %swap3A_426 = arith.index_cast %add3A_384 : i32 to index
        %swap3A_427 = arith.constant 16 : index
        %swap3A_428 = tpu.vector_load %arg9[%swap3A_425, %swap3A_426, %swap3A_427] {strides = array<i32>} : memref<2x200x128xf32, #tpu.memory_space<vmem>>, vector<1x1x16xf32>,
        %swap3A_429 = vector.shape_cast %swap3A_428 : vector<1x1x16xf32> to vector<16xf32>
        %swap3A_430 = vector.shape_cast %add3A_423 : vector<16xf32> to vector<1x1x16xf32>
        tpu.vector_store %arg9[%swap3A_425, %swap3A_426, %swap3A_427], %swap3A_430 {strides = array<i32>} : memref<2x200x128xf32, #tpu.memory_space<vmem>>, vector<1x1x16xf32>,
        %get3A_431 = arith.constant 1 : i32
        %get3A_432 = arith.index_cast %get3A_431 : i32 to index
        %get3A_433 = arith.index_cast %add3A_384 : i32 to index
        %get3A_434 = arith.constant 32 : index
        %get3A_435 = tpu.vector_load %arg7[%get3A_432, %get3A_433, %get3A_434] {strides = array<i32>} : memref<2x200x64xf32, #tpu.memory_space<vmem>>, vector<1x1x16xf32>,
        %get3A_436 = vector.shape_cast %get3A_435 : vector<1x1x16xf32> to vector<16xf32>
        %get3A_437 = arith.constant 1 : i32
        %get3A_438 = arith.index_cast %get3A_437 : i32 to index
        %get3A_439 = arith.index_cast %add3A_384 : i32 to index
        %get3A_440 = arith.constant 32 : index
        %get3A_441 = tpu.vector_load %arg8[%get3A_438, %get3A_439, %get3A_440] {strides = array<i32>} : memref<2x200x64xf32, #tpu.memory_space<vmem>>, vector<1x1x16xf32>,
        %get3A_442 = vector.shape_cast %get3A_441 : vector<1x1x16xf32> to vector<16xf32>
        %mul3A_443 = arith.constant 8.000000e+00 : f32
        %mul3A_444 = vector.broadcast %mul3A_443 : f32 to vector<16xf32>
        %mul3A_445 = arith.mulf %mul3A_444, %get3A_442 : vector<16xf32>
        %add3A_446 = arith.addf %get3A_436, %mul3A_445 : vector<16xf32>
        %swap3A_447 = arith.constant 1 : i32
        %swap3A_448 = arith.index_cast %swap3A_447 : i32 to index
        %swap3A_449 = arith.index_cast %add3A_384 : i32 to index
        %swap3A_450 = arith.constant 32 : index
        %swap3A_451 = tpu.vector_load %arg9[%swap3A_448, %swap3A_449, %swap3A_450] {strides = array<i32>} : memref<2x200x128xf32, #tpu.memory_space<vmem>>, vector<1x1x16xf32>,
        %swap3A_452 = vector.shape_cast %swap3A_451 : vector<1x1x16xf32> to vector<16xf32>
        %swap3A_453 = vector.shape_cast %add3A_446 : vector<16xf32> to vector<1x1x16xf32>
        tpu.vector_store %arg9[%swap3A_448, %swap3A_449, %swap3A_450], %swap3A_453 {strides = array<i32>} : memref<2x200x128xf32, #tpu.memory_space<vmem>>, vector<1x1x16xf32>,
        %get3A_454 = arith.constant 1 : i32
        %get3A_455 = arith.index_cast %get3A_454 : i32 to index
        %get3A_456 = arith.index_cast %add3A_384 : i32 to index
        %get3A_457 = arith.constant 48 : index
        %get3A_458 = tpu.vector_load %arg7[%get3A_455, %get3A_456, %get3A_457] {strides = array<i32>} : memref<2x200x64xf32, #tpu.memory_space<vmem>>, vector<1x1x16xf32>,
        %get3A_459 = vector.shape_cast %get3A_458 : vector<1x1x16xf32> to vector<16xf32>
        %get3A_460 = arith.constant 1 : i32
        %get3A_461 = arith.index_cast %get3A_460 : i32 to index
        %get3A_462 = arith.index_cast %add3A_384 : i32 to index
        %get3A_463 = arith.constant 48 : index
        %get3A_464 = tpu.vector_load %arg8[%get3A_461, %get3A_462, %get3A_463] {strides = array<i32>} : memref<2x200x64xf32, #tpu.memory_space<vmem>>, vector<1x1x16xf32>,
        %get3A_465 = vector.shape_cast %get3A_464 : vector<1x1x16xf32> to vector<16xf32>
        %mul3A_466 = arith.constant 8.000000e+00 : f32
        %mul3A_467 = vector.broadcast %mul3A_466 : f32 to vector<16xf32>
        %mul3A_468 = arith.mulf %mul3A_467, %get3A_465 : vector<16xf32>
        %add3A_469 = arith.addf %get3A_459, %mul3A_468 : vector<16xf32>
        %swap3A_470 = arith.constant 1 : i32
        %swap3A_471 = arith.index_cast %swap3A_470 : i32 to index
        %swap3A_472 = arith.index_cast %add3A_384 : i32 to index
        %swap3A_473 = arith.constant 48 : index
        %swap3A_474 = tpu.vector_load %arg9[%swap3A_471, %swap3A_472, %swap3A_473] {strides = array<i32>} : memref<2x200x128xf32, #tpu.memory_space<vmem>>, vector<1x1x16xf32>,
        %swap3A_475 = vector.shape_cast %swap3A_474 : vector<1x1x16xf32> to vector<16xf32>
        %swap3A_476 = vector.shape_cast %add3A_469 : vector<16xf32> to vector<1x1x16xf32>
        tpu.vector_store %arg9[%swap3A_471, %swap3A_472, %swap3A_473], %swap3A_476 {strides = array<i32>} : memref<2x200x128xf32, #tpu.memory_space<vmem>>, vector<1x1x16xf32>,
        %scan3A_477 = arith.constant 3 : i32
        %scan3A_478 = arith.addi %scan3A_186, %scan3A_477 : i32
        %mul3A_479 = arith.constant 1 : i32
        %mul3A_480 = arith.muli %scan3A_478, %mul3A_479 : i32
        %add3A_481 = arith.constant 0 : i32
        %add3A_482 = arith.addi %add3A_481, %mul3A_480 : i32
        %get3A_483 = arith.constant 1 : i32
        %get3A_484 = arith.index_cast %get3A_483 : i32 to index
        %get3A_485 = arith.index_cast %add3A_482 : i32 to index
        %get3A_486 = arith.constant 0 : index
        %get3A_487 = tpu.vector_load %arg7[%get3A_484, %get3A_485, %get3A_486] {strides = array<i32>} : memref<2x200x64xf32, #tpu.memory_space<vmem>>, vector<1x1x16xf32>,
        %get3A_488 = vector.shape_cast %get3A_487 : vector<1x1x16xf32> to vector<16xf32>
        %get3A_489 = arith.constant 1 : i32
        %get3A_490 = arith.index_cast %get3A_489 : i32 to index
        %get3A_491 = arith.index_cast %add3A_482 : i32 to index
        %get3A_492 = arith.constant 0 : index
        %get3A_493 = tpu.vector_load %arg8[%get3A_490, %get3A_491, %get3A_492] {strides = array<i32>} : memref<2x200x64xf32, #tpu.memory_space<vmem>>, vector<1x1x16xf32>,
        %get3A_494 = vector.shape_cast %get3A_493 : vector<1x1x16xf32> to vector<16xf32>
        %mul3A_495 = arith.constant 8.000000e+00 : f32
        %mul3A_496 = vector.broadcast %mul3A_495 : f32 to vector<16xf32>
        %mul3A_497 = arith.mulf %mul3A_496, %get3A_494 : vector<16xf32>
        %add3A_498 = arith.addf %get3A_488, %mul3A_497 : vector<16xf32>
        %swap3A_499 = arith.constant 1 : i32
        %swap3A_500 = arith.index_cast %swap3A_499 : i32 to index
        %swap3A_501 = arith.index_cast %add3A_482 : i32 to index
        %swap3A_502 = arith.constant 0 : index
        %swap3A_503 = tpu.vector_load %arg9[%swap3A_500, %swap3A_501, %swap3A_502] {strides = array<i32>} : memref<2x200x128xf32, #tpu.memory_space<vmem>>, vector<1x1x16xf32>,
        %swap3A_504 = vector.shape_cast %swap3A_503 : vector<1x1x16xf32> to vector<16xf32>
        %swap3A_505 = vector.shape_cast %add3A_498 : vector<16xf32> to vector<1x1x16xf32>
        tpu.vector_store %arg9[%swap3A_500, %swap3A_501, %swap3A_502], %swap3A_505 {strides = array<i32>} : memref<2x200x128xf32, #tpu.memory_space<vmem>>, vector<1x1x16xf32>,
        %get3A_506 = arith.constant 1 : i32
        %get3A_507 = arith.index_cast %get3A_506 : i32 to index
        %get3A_508 = arith.index_cast %add3A_482 : i32 to index
        %get3A_509 = arith.constant 16 : index
        %get3A_510 = tpu.vector_load %arg7[%get3A_507, %get3A_508, %get3A_509] {strides = array<i32>} : memref<2x200x64xf32, #tpu.memory_space<vmem>>, vector<1x1x16xf32>,
        %get3A_511 = vector.shape_cast %get3A_510 : vector<1x1x16xf32> to vector<16xf32>
        %get3A_512 = arith.constant 1 : i32
        %get3A_513 = arith.index_cast %get3A_512 : i32 to index
        %get3A_514 = arith.index_cast %add3A_482 : i32 to index
        %get3A_515 = arith.constant 16 : index
        %get3A_516 = tpu.vector_load %arg8[%get3A_513, %get3A_514, %get3A_515] {strides = array<i32>} : memref<2x200x64xf32, #tpu.memory_space<vmem>>, vector<1x1x16xf32>,
        %get3A_517 = vector.shape_cast %get3A_516 : vector<1x1x16xf32> to vector<16xf32>
        %mul3A_518 = arith.constant 8.000000e+00 : f32
        %mul3A_519 = vector.broadcast %mul3A_518 : f32 to vector<16xf32>
        %mul3A_520 = arith.mulf %mul3A_519, %get3A_517 : vector<16xf32>
        %add3A_521 = arith.addf %get3A_511, %mul3A_520 : vector<16xf32>
        %swap3A_522 = arith.constant 1 : i32
        %swap3A_523 = arith.index_cast %swap3A_522 : i32 to index
        %swap3A_524 = arith.index_cast %add3A_482 : i32 to index
        %swap3A_525 = arith.constant 16 : index
        %swap3A_526 = tpu.vector_load %arg9[%swap3A_523, %swap3A_524, %swap3A_525] {strides = array<i32>} : memref<2x200x128xf32, #tpu.memory_space<vmem>>, vector<1x1x16xf32>,
        %swap3A_527 = vector.shape_cast %swap3A_526 : vector<1x1x16xf32> to vector<16xf32>
        %swap3A_528 = vector.shape_cast %add3A_521 : vector<16xf32> to vector<1x1x16xf32>
        tpu.vector_store %arg9[%swap3A_523, %swap3A_524, %swap3A_525], %swap3A_528 {strides = array<i32>} : memref<2x200x128xf32, #tpu.memory_space<vmem>>, vector<1x1x16xf32>,
        %get3A_529 = arith.constant 1 : i32
        %get3A_530 = arith.index_cast %get3A_529 : i32 to index
        %get3A_531 = arith.index_cast %add3A_482 : i32 to index
        %get3A_532 = arith.constant 32 : index
        %get3A_533 = tpu.vector_load %arg7[%get3A_530, %get3A_531, %get3A_532] {strides = array<i32>} : memref<2x200x64xf32, #tpu.memory_space<vmem>>, vector<1x1x16xf32>,
        %get3A_534 = vector.shape_cast %get3A_533 : vector<1x1x16xf32> to vector<16xf32>
        %get3A_535 = arith.constant 1 : i32
        %get3A_536 = arith.index_cast %get3A_535 : i32 to index
        %get3A_537 = arith.index_cast %add3A_482 : i32 to index
        %get3A_538 = arith.constant 32 : index
        %get3A_539 = tpu.vector_load %arg8[%get3A_536, %get3A_537, %get3A_538] {strides = array<i32>} : memref<2x200x64xf32, #tpu.memory_space<vmem>>, vector<1x1x16xf32>,
        %get3A_540 = vector.shape_cast %get3A_539 : vector<1x1x16xf32> to vector<16xf32>
        %mul3A_541 = arith.constant 8.000000e+00 : f32
        %mul3A_542 = vector.broadcast %mul3A_541 : f32 to vector<16xf32>
        %mul3A_543 = arith.mulf %mul3A_542, %get3A_540 : vector<16xf32>
        %add3A_544 = arith.addf %get3A_534, %mul3A_543 : vector<16xf32>
        %swap3A_545 = arith.constant 1 : i32
        %swap3A_546 = arith.index_cast %swap3A_545 : i32 to index
        %swap3A_547 = arith.index_cast %add3A_482 : i32 to index
        %swap3A_548 = arith.constant 32 : index
        %swap3A_549 = tpu.vector_load %arg9[%swap3A_546, %swap3A_547, %swap3A_548] {strides = array<i32>} : memref<2x200x128xf32, #tpu.memory_space<vmem>>, vector<1x1x16xf32>,
        %swap3A_550 = vector.shape_cast %swap3A_549 : vector<1x1x16xf32> to vector<16xf32>
        %swap3A_551 = vector.shape_cast %add3A_544 : vector<16xf32> to vector<1x1x16xf32>
        tpu.vector_store %arg9[%swap3A_546, %swap3A_547, %swap3A_548], %swap3A_551 {strides = array<i32>} : memref<2x200x128xf32, #tpu.memory_space<vmem>>, vector<1x1x16xf32>,
        %get3A_552 = arith.constant 1 : i32
        %get3A_553 = arith.index_cast %get3A_552 : i32 to index
        %get3A_554 = arith.index_cast %add3A_482 : i32 to index
        %get3A_555 = arith.constant 48 : index
        %get3A_556 = tpu.vector_load %arg7[%get3A_553, %get3A_554, %get3A_555] {strides = array<i32>} : memref<2x200x64xf32, #tpu.memory_space<vmem>>, vector<1x1x16xf32>,
        %get3A_557 = vector.shape_cast %get3A_556 : vector<1x1x16xf32> to vector<16xf32>
        %get3A_558 = arith.constant 1 : i32
        %get3A_559 = arith.index_cast %get3A_558 : i32 to index
        %get3A_560 = arith.index_cast %add3A_482 : i32 to index
        %get3A_561 = arith.constant 48 : index
        %get3A_562 = tpu.vector_load %arg8[%get3A_559, %get3A_560, %get3A_561] {strides = array<i32>} : memref<2x200x64xf32, #tpu.memory_space<vmem>>, vector<1x1x16xf32>,
        %get3A_563 = vector.shape_cast %get3A_562 : vector<1x1x16xf32> to vector<16xf32>
        %mul3A_564 = arith.constant 8.000000e+00 : f32
        %mul3A_565 = vector.broadcast %mul3A_564 : f32 to vector<16xf32>
        %mul3A_566 = arith.mulf %mul3A_565, %get3A_563 : vector<16xf32>
        %add3A_567 = arith.addf %get3A_557, %mul3A_566 : vector<16xf32>
        %swap3A_568 = arith.constant 1 : i32
        %swap3A_569 = arith.index_cast %swap3A_568 : i32 to index
        %swap3A_570 = arith.index_cast %add3A_482 : i32 to index
        %swap3A_571 = arith.constant 48 : index
        %swap3A_572 = tpu.vector_load %arg9[%swap3A_569, %swap3A_570, %swap3A_571] {strides = array<i32>} : memref<2x200x128xf32, #tpu.memory_space<vmem>>, vector<1x1x16xf32>,
        %swap3A_573 = vector.shape_cast %swap3A_572 : vector<1x1x16xf32> to vector<16xf32>
        %swap3A_574 = vector.shape_cast %add3A_567 : vector<16xf32> to vector<1x1x16xf32>
        tpu.vector_store %arg9[%swap3A_569, %swap3A_570, %swap3A_571], %swap3A_574 {strides = array<i32>} : memref<2x200x128xf32, #tpu.memory_space<vmem>>, vector<1x1x16xf32>,
      }
      %scan3A_162 = arith.constant 200 : i32
      %mul3A_163 = arith.constant 200 : i32
      %mul3A_164 = arith.muli %add3A_132, %mul3A_163 : i32
      %add3A_165 = arith.addi %mul3A_2, %mul3A_164 : i32
      %dma_start3A_166 = arith.constant 1 : i32
      %dma_start3A_167 = arith.constant 0 : i32
      %dma_start3A_168 = arith.constant 0 : i32
      %dma_start3A_169 = tpu.memref_slice %arg9[%dma_start3A_166, %dma_start3A_167, %dma_start3A_168] : memref<2x200x128xf32, #tpu.memory_space<vmem>> -> memref<1x200x128xf32, #tpu.memory_space<vmem>>
      %dma_start3A_170 = tpu.memref_squeeze %dma_start3A_169 : memref<1x200x128xf32, #tpu.memory_space<vmem>> -> memref<200x128xf32, #tpu.memory_space<vmem>>
      %dma_start3A_171 = arith.constant 0 : i32
      %dma_start3A_172 = tpu.memref_slice %arg5[%add3A_165, %dma_start3A_171] : memref<819200x128xf32, #tpu.memory_space<hbm>> -> memref<200x128xf32, #tpu.memory_space<hbm>>
      %dma_start3A_173 = arith.constant 0 : i32
      %dma_start3A_174 = tpu.memref_slice %arg5[%add3A_165, %dma_start3A_173] : memref<819200x128xf32, #tpu.memory_space<hbm>> -> memref<200x128xf32, #tpu.memory_space<hbm>>
      %dma_start3A_175 = arith.constant 0 : i32
      %dma_start3A_176 = arith.constant 0 : i32
      %dma_start3A_177 = tpu.memref_slice %arg9[%dma_start3A_166, %dma_start3A_175, %dma_start3A_176] : memref<2x200x128xf32, #tpu.memory_space<vmem>> -> memref<1x200x128xf32, #tpu.memory_space<vmem>>
      %dma_start3A_178 = tpu.memref_squeeze %dma_start3A_177 : memref<1x200x128xf32, #tpu.memory_space<vmem>> -> memref<200x128xf32, #tpu.memory_space<vmem>>
      tpu.enqueue_dma source(%dma_start3A_178 : memref<200x128xf32, #tpu.memory_space<vmem>>) target(%dma_start3A_174 : memref<200x128xf32, #tpu.memory_space<hbm>>) target_semaphore(%arg15 : memref<!tpu.dma_semaphore, #tpu.memory_space<semaphore_mem>>)
      %add3A_179 = arith.constant 2 : i32
      %add3A_180 = arith.addi %add3A_132, %add3A_179 : i32
      %lt3A_181 = arith.constant 128 : i32
      %lt3A_182 = arith.cmpi slt, %add3A_180, %lt3A_181 : i32
      %convert_element_type3A_183 = arith.extui %lt3A_182 : i1 to i32
      %cond3A_184 = arith.constant 0 : i32
      %cond3A_185 = arith.cmpi ne, %convert_element_type3A_183, %cond3A_184 : i32
      scf.if %cond3A_185 {
        %add3A_186 = arith.constant 2 : i32
        %add3A_187 = arith.addi %add3A_132, %add3A_186 : i32
        %mul3A_188 = arith.constant 200 : i32
        %mul3A_189 = arith.muli %add3A_187, %mul3A_188 : i32
        %dma_start3A_190 = arith.constant 1 : i32
        %dma_start3A_191 = arith.constant 0 : i32
        %dma_start3A_192 = arith.constant 0 : i32
        %dma_start3A_193 = tpu.memref_slice %arg7[%dma_start3A_190, %dma_start3A_191, %dma_start3A_192] : memref<2x200x64xf32, #tpu.memory_space<vmem>> -> memref<1x200x64xf32, #tpu.memory_space<vmem>>
        %dma_start3A_194 = tpu.memref_squeeze %dma_start3A_193 : memref<1x200x64xf32, #tpu.memory_space<vmem>> -> memref<200x64xf32, #tpu.memory_space<vmem>>
        %dma_start3A_195 = tpu.memref_slice %arg6[%mul3A_189] : memref<25600xi32, #tpu.memory_space<vmem>> -> memref<200xi32, #tpu.memory_space<vmem>>
        %dma_start3A_196 = arith.constant 0 : i32
        %dma_start3A_197 = arith.constant 0 : i32
        %dma_start3A_198 = tpu.memref_slice %arg2[%dma_start3A_196, %dma_start3A_197] : memref<1000000x64xf32, #tpu.memory_space<hbm>> -> memref<1000000x64xf32, #tpu.memory_space<hbm>>
        tpu.enqueue_indirect_dma source(%dma_start3A_198 : memref<1000000x64xf32, #tpu.memory_space<hbm>>) target(%dma_start3A_194 : memref<200x64xf32, #tpu.memory_space<vmem>>) offsets(%dma_start3A_195 : memref<200xi32, #tpu.memory_space<vmem>>) semaphore(%arg11 : memref<!tpu.dma_semaphore, #tpu.memory_space<semaphore_mem>>)
        %dma_start3A_199 = arith.constant 1 : i32
        %dma_start3A_200 = arith.constant 0 : i32
        %dma_start3A_201 = arith.constant 0 : i32
        %dma_start3A_202 = tpu.memref_slice %arg8[%dma_start3A_199, %dma_start3A_200, %dma_start3A_201] : memref<2x200x64xf32, #tpu.memory_space<vmem>> -> memref<1x200x64xf32, #tpu.memory_space<vmem>>
        %dma_start3A_203 = tpu.memref_squeeze %dma_start3A_202 : memref<1x200x64xf32, #tpu.memory_space<vmem>> -> memref<200x64xf32, #tpu.memory_space<vmem>>
        %dma_start3A_204 = tpu.memref_slice %arg6[%mul3A_189] : memref<25600xi32, #tpu.memory_space<vmem>> -> memref<200xi32, #tpu.memory_space<vmem>>
        %dma_start3A_205 = arith.constant 0 : i32
        %dma_start3A_206 = arith.constant 0 : i32
        %dma_start3A_207 = tpu.memref_slice %arg3[%dma_start3A_205, %dma_start3A_206] : memref<1000000x64xf32, #tpu.memory_space<hbm>> -> memref<1000000x64xf32, #tpu.memory_space<hbm>>
        tpu.enqueue_indirect_dma source(%dma_start3A_207 : memref<1000000x64xf32, #tpu.memory_space<hbm>>) target(%dma_start3A_203 : memref<200x64xf32, #tpu.memory_space<vmem>>) offsets(%dma_start3A_204 : memref<200xi32, #tpu.memory_space<vmem>>) semaphore(%arg13 : memref<!tpu.dma_semaphore, #tpu.memory_space<semaphore_mem>>)
      } else {
      }
    }
    %scan3A_45 = arith.constant 64 : i32
    %dma_wait3A = arith.constant 0 : i32
    %dma_wait3A_46 = arith.constant 0 : i32
    %dma_wait3A_47 = arith.constant 0 : i32
    %dma_wait3A_48 = tpu.memref_slice %arg9[%dma_wait3A, %dma_wait3A_46, %dma_wait3A_47] : memref<2x200x128xf32, #tpu.memory_space<vmem>> -> memref<1x200x128xf32, #tpu.memory_space<vmem>>
    %dma_wait3A_49 = tpu.memref_squeeze %dma_wait3A_48 : memref<1x200x128xf32, #tpu.memory_space<vmem>> -> memref<200x128xf32, #tpu.memory_space<vmem>>
    %dma_wait3A_50 = arith.constant 0 : i32
    %dma_wait3A_51 = tpu.memref_slice %arg5[%mul3A_2, %dma_wait3A_50] : memref<819200x128xf32, #tpu.memory_space<hbm>> -> memref<200x128xf32, #tpu.memory_space<hbm>>
    %dma_wait3A_52 = arith.constant 0 : i32
    %dma_wait3A_53 = tpu.memref_slice %arg5[%mul3A_2, %dma_wait3A_52] : memref<819200x128xf32, #tpu.memory_space<hbm>> -> memref<200x128xf32, #tpu.memory_space<hbm>>
    %dma_wait3A_54 = arith.constant 0 : i32
    %dma_wait3A_55 = arith.constant 0 : i32
    %dma_wait3A_56 = tpu.memref_slice %arg9[%dma_wait3A, %dma_wait3A_54, %dma_wait3A_55] : memref<2x200x128xf32, #tpu.memory_space<vmem>> -> memref<1x200x128xf32, #tpu.memory_space<vmem>>
    %dma_wait3A_57 = tpu.memref_squeeze %dma_wait3A_56 : memref<1x200x128xf32, #tpu.memory_space<vmem>> -> memref<200x128xf32, #tpu.memory_space<vmem>>
    tpu.wait_dma2 semaphore(%arg14 : memref<!tpu.dma_semaphore, #tpu.memory_space<semaphore_mem>>) src(%dma_wait3A_57 : memref<200x128xf32, #tpu.memory_space<vmem>>) dst(%dma_wait3A_53 : memref<200x128xf32, #tpu.memory_space<hbm>>)
    %dma_wait3A_58 = arith.constant 1 : i32
    %dma_wait3A_59 = arith.constant 0 : i32
    %dma_wait3A_60 = arith.constant 0 : i32
    %dma_wait3A_61 = tpu.memref_slice %arg9[%dma_wait3A_58, %dma_wait3A_59, %dma_wait3A_60] : memref<2x200x128xf32, #tpu.memory_space<vmem>> -> memref<1x200x128xf32, #tpu.memory_space<vmem>>
    %dma_wait3A_62 = tpu.memref_squeeze %dma_wait3A_61 : memref<1x200x128xf32, #tpu.memory_space<vmem>> -> memref<200x128xf32, #tpu.memory_space<vmem>>
    %dma_wait3A_63 = arith.constant 0 : i32
    %dma_wait3A_64 = tpu.memref_slice %arg5[%mul3A_2, %dma_wait3A_63] : memref<819200x128xf32, #tpu.memory_space<hbm>> -> memref<200x128xf32, #tpu.memory_space<hbm>>
    %dma_wait3A_65 = arith.constant 0 : i32
    %dma_wait3A_66 = tpu.memref_slice %arg5[%mul3A_2, %dma_wait3A_65] : memref<819200x128xf32, #tpu.memory_space<hbm>> -> memref<200x128xf32, #tpu.memory_space<hbm>>
    %dma_wait3A_67 = arith.constant 0 : i32
    %dma_wait3A_68 = arith.constant 0 : i32
    %dma_wait3A_69 = tpu.memref_slice %arg9[%dma_wait3A_58, %dma_wait3A_67, %dma_wait3A_68] : memref<2x200x128xf32, #tpu.memory_space<vmem>> -> memref<1x200x128xf32, #tpu.memory_space<vmem>>
    %dma_wait3A_70 = tpu.memref_squeeze %dma_wait3A_69 : memref<1x200x128xf32, #tpu.memory_space<vmem>> -> memref<200x128xf32, #tpu.memory_space<vmem>>
    tpu.wait_dma2 semaphore(%arg15 : memref<!tpu.dma_semaphore, #tpu.memory_space<semaphore_mem>>) src(%dma_wait3A_70 : memref<200x128xf32, #tpu.memory_space<vmem>>) dst(%dma_wait3A_66 : memref<200x128xf32, #tpu.memory_space<hbm>>)
    return
  }
}

</mosaic_0001>

<sc_bundles>
// kernel: kernel.3.cloned.1.call-start
scs
__scs_entry_jumppad:
0x0: {  	(pc) =	sbr.rel $0x88, $3  }
0x1: {  	(tag) =	ssettag $0x0;
	lr =	simm.s32 $0x1  }
0x2: {  	[smem:$0x3F9E] =	sst lr;
	_ =	strace $0xD0000000  }
0x3: {  	_ = 	snop  }
0x4: {  	_ = 	snop  }
0x5: {  	_ = 	snop  }
0x6: {  	_ = 	snop  }
0x7: {  	_ = 	snop  }
__scs_overlays_trampoline_lowered:
0x8: {  	[smem:$0x3FAD] =	sst s0  }
0x9: {  	[smem:$0x3FAE] =	sst s1  }
0xa: {  	[smem:$0x3FAF] =	sst s2  }
0xb: {  	[smem:$0x3FB0] =	sst s3  }
0xc: {  	[smem:$0x3FB1] =	sst s4  }
0xd: {  	[smem:$0x3FB2] =	sst s5  }
0xe: {  	[smem:$0x3FB3] =	sst s6  }
0xf: {  	[smem:$0x3FB4] =	sst s7  }
0x10: {  	[smem:$0x3FB5] =	sst s8  }
0x11: {  	[smem:$0x3FB6] =	sst s9;
	s0 =	simm.s32 @!p0 $0x0  }
0x12: {  	s1 =	sld [smem:$0x3F9C];
	s0 =	simm.s32 @p0 $0x1  }
0x13: {  	[smem:$0x3FB7] =	sst s0;
	s0 =	simm.s32 @!p1 $0x0  }
0x14: {  	s2 =	sld [smem:$0x3F9B];
	s0 =	simm.s32 @p1 $0x1  }
0x15: {  	[smem:$0x3FB8] =	sst s0;
	s0 =	simm.s32 @!p2 $0x0  }
0x16: {  	s3 =	sld [smem:$0x3FDB];
	s0 =	simm.s32 @p2 $0x1  }
0x17: {  	s4 =	simm.s32 $0x1BF5;
	[smem:$0x3FBA] =	sst s0  }
0x18: {  	s0 =	sld [smem:$0x3F9D];
	_ =	swait.ge [sflag:s4], $0x0  }
0x19: {  	s7 =	sld [smem:$0x3F9E]  }
0x1a: {  	s8 =	sadd.s32 $0xFFFFE003, lr  }
0x1b: {  	s9 =	sadd.s32 $0xFFFFFEF7, lr;
	s5 =	simm.s32 $0xFFFFFFFF;
	p2 =	slt.u32 s8, $0xFFFFF086  }
0x1c: {  	p1 =	slt.u32 s9, $0xF7A;
	s5 =	simm.s32 @!p2 $0x0  }
0x1d: {  	s5 =	simm.s32 @p1 $0x1;
	p0 =	seq.s32 s7, s2  }
0x1e: {  	s7 =	smul.u32 @!p0 $0xF7A, s2;
	p2 =	seq.s32 @!p0 s5, $0x0  }
0x1f: {  	s9 =	smul.u32 $0xF7A, s1;
	s8 =	simm.s32 @!p0 $0x1BF5;
	p2 =	por !p2, p0  }
0x20: {  	[sflag:s8] =	ssyncset.s32 @!p0 $0xFFFFF086;
	s6 =	sadd.s32 @!p0 s3, s7;
	s7 =	simm.s32 @!p0 $0x108  }
0x21: {  	s3 =	sadd.s32 s3, s9;
	s6 =	sadd.s32 @!p0 $0x88, s6;
	s7 =	simm.s32 @p2 $0x1082  }
0x22: {  	[simem:s7], [sflag:s8] =	dma.local @!p0 [hbm:s6], $0xF7A  }
0x23: {  	s9 =	sor.u32 $0xD0000000, s2;
	s6 =	simm.s32 $0x108;
	_ =	swait.ge @!p0 [sflag:s8], $0x0  }
0x24: {  	s3 =	sadd.s32 $0x88, s3;
	s6 =	simm.s32 @!p1 $0x1082;
	[sflag:s4] =	ssyncset.s32 $0xFFFFF086  }
0x25: {  	[simem:s6], [sflag:s4] =	dma.local [hbm:s3], $0xF7A  }
0x26: {  	[smem:$0x3F9E] =	sst s1;
	(tag) =	ssettag s2;
	_ =	strace s9  }
0x27: {  	s1 =	sld [smem:$0x3FAE]  }
0x28: {  	s2 =	sld [smem:$0x3FAF]  }
0x29: {  	s4 =	sld [smem:$0x3FB1]  }
0x2a: {  	p0 =	seq.s32 s5, $0x0;
	s5 =	sld [smem:$0x3FB2]  }
0x2b: {  	s6 =	sld [smem:$0x3FB3]  }
0x2c: {  	s7 =	sld [smem:$0x3FB4]  }
0x2d: {  	s3 =	simm.s32 $0x108;
	s8 =	sld [smem:$0x3FB5]  }
0x2e: {  	s3 =	simm.s32 @!p0 $0x1082;
	s9 =	sld [smem:$0x3FB6]  }
0x2f: {  	lr =	sadd.s32 s0, s3;
	s0 =	sld [smem:$0x3FAD]  }
0x30: {  	s3 =	sld [smem:$0x3FB0]  }
0x31: {  	[smem:$0x3FB9] =	sst s10  }
0x32: {  	s10 =	sld [smem:$0x3FB7];
	_ =	sdelay $0x3  }
0x33: {  	p0 =	seq.s32 s10, $0x1;
	s10 =	sld [smem:$0x3FB9];
	_ =	sdelay $0x3  }
0x34: {  	[smem:$0x3FB9] =	sst s10  }
0x35: {  	s10 =	sld [smem:$0x3FB8];
	_ =	sdelay $0x3  }
0x36: {  	p1 =	seq.s32 s10, $0x1;
	s10 =	sld [smem:$0x3FB9];
	_ =	sdelay $0x3  }
0x37: {  	[smem:$0x3FB9] =	sst s10  }
0x38: {  	s10 =	sld [smem:$0x3FBA]  }
0x39: {  	_ = 	snop;
	(pc) =	sbr.ind lr, $3  }
0x3a: {  	_ = 	snop  }
0x3b: {  	_ = 	snop  }
0x3c: {  	p2 =	seq.s32 s10, $0x1;
	s10 =	sld [smem:$0x3FB9]  }
0x3d: {  	_ =	shalt  }
0x3e: {  	_ =	shalt  }
0x3f: {  	_ =	shalt  }
0x40: {  	_ =	shalt  }
0x41: {  	_ =	shalt  }
0x42: {  	_ =	shalt  }
0x43: {  	_ =	shalt  }
0x44: {  	_ =	shalt  }
0x45: {  	_ =	shalt  }
0x46: {  	_ =	shalt  }
0x47: {  	_ =	shalt  }
0x48: {  	_ =	shalt  }
0x49: {  	_ =	shalt  }
0x4a: {  	_ =	shalt  }
0x4b: {  	_ =	shalt  }
0x4c: {  	_ =	shalt  }
0x4d: {  	_ =	shalt  }
0x4e: {  	_ =	shalt  }
0x4f: {  	_ =	shalt  }
0x50: {  	_ =	shalt  }
0x51: {  	_ =	shalt  }
0x52: {  	_ =	shalt  }
0x53: {  	_ =	shalt  }
0x54: {  	_ =	shalt  }
0x55: {  	_ =	shalt  }
0x56: {  	_ =	shalt  }
0x57: {  	_ =	shalt  }
0x58: {  	_ =	shalt  }
0x59: {  	_ =	shalt  }
0x5a: {  	_ =	shalt  }
0x5b: {  	_ =	shalt  }
0x5c: {  	_ =	shalt  }
0x5d: {  	_ =	shalt  }
0x5e: {  	_ =	shalt  }
0x5f: {  	_ =	shalt  }
0x60: {  	_ =	shalt  }
0x61: {  	_ =	shalt  }
0x62: {  	_ =	shalt  }
0x63: {  	_ =	shalt  }
0x64: {  	_ =	shalt  }
0x65: {  	_ =	shalt  }
0x66: {  	_ =	shalt  }
0x67: {  	_ =	shalt  }
0x68: {  	_ =	shalt  }
0x69: {  	_ =	shalt  }
0x6a: {  	_ =	shalt  }
0x6b: {  	_ =	shalt  }
0x6c: {  	_ =	shalt  }
0x6d: {  	_ =	shalt  }
0x6e: {  	_ =	shalt  }
0x6f: {  	_ =	shalt  }
0x70: {  	_ =	shalt  }
0x71: {  	_ =	shalt  }
0x72: {  	_ =	shalt  }
0x73: {  	_ =	shalt  }
0x74: {  	_ =	shalt  }
0x75: {  	_ =	shalt  }
0x76: {  	_ =	shalt  }
0x77: {  	_ =	shalt  }
0x78: {  	_ =	shalt  }
0x79: {  	_ =	shalt  }
0x7a: {  	_ =	shalt  }
0x7b: {  	_ =	shalt  }
0x7c: {  	_ =	shalt  }
0x7d: {  	_ =	shalt  }
0x7e: {  	_ =	shalt  }
0x7f: {  	_ =	shalt  }
0x80: {  	_ =	shalt  }
0x81: {  	_ =	shalt  }
0x82: {  	_ =	shalt  }
0x83: {  	_ =	shalt  }
0x84: {  	_ =	shalt  }
0x85: {  	_ =	shalt  }
0x86: {  	_ =	shalt  }
0x87: {  	_ =	shalt  }
.Lfunc_end0:
.L_simem_size_0:
called_computation.1_lowered:
.L_overlay_start_0:
0x88: {  	s2 =	sld [smem:$0x3FD9]  }
0x89: {  	s3 =	sld [smem:$0x3FFE];
	_ =	sdelay $0x1  }
0x8a: {  	s1 =	srdreg.scid  }
0x8b: {  	s0 =	sand.u32 $0x1, s1  }
0x8c: {  	s17 =	sshll.u32 s0, $0xA;
	s2 =	sadd.s32 s3, s2  }
0x8d: {  	s2 =	sadd.s32 s2, s17  }
0x8e: {  	[smem:$0x3FC5] =	sst s2  }
0x8f: {  	_ = 	snop  }
0x90: {  	s2 =	sld [smem:$0x3FD0];
	(tm) =	ssettm $0x1  }
0x91: {  	s18 =	sld [smem:$0x3FFB];
	_ =	sdelay $0x3  }
0x92: {  	_ =	strace s18  }
0x93: {  	s3 =	sld [smem:$0x3FFC];
	_ =	sdelay $0x3  }
0x94: {  	_ =	strace s3  }
0x95: {  	s3 =	sld [smem:$0x3FFD];
	_ =	sdelay $0x3  }
0x96: {  	_ =	strace s3  }
0x97: {  	_ =	strace $0x8FFFFFFF  }
0x98: {  	s19 =	sld [smem:$0x3FDB];
	_ =	sdelay $0x1  }
0x99: {  	s4 =	simm.s32 $_scs_section_size  }
0x9a: {  	s5 =	simm.s32 $_size__tile_overlayer_lowered;
	s6 =	simm.s32 $_tile_overlayer_lowered  }
0x9b: {  	s22 =	simm.s32 $0x1BFF;
	s21 =	sshll.u32 s6, $0x1;
	s3 =	sadd.s32 s4, s19  }
0x9c: {  	s7 =	simm.s32 $0x0;
	s20 =	sshll.u32 s5, $0x1;
	s5 =	sadd.s32 s21, s3  }
0x9d: {  	[timem:s7], [sflag:s22] =	dma.local [hbm:s5], s20  }
0x9e: {  	_ =	swait.ge [sflag:s22], s20  }
0x9f: {  	s4 =	ssub.s32 $0x0, s20;
	[sflag:s22] =	ssyncset.done $0x0  }
0xa0: {  	[sflag:s22] =	ssyncadd.s32 s4;
	_ =	sdelay $0x1  }
0xa1: {  	s23 =	simm.s32 $0x1B8B  }
0xa2: {  	_ =	swait.ge [sflag:s23], $0x1  }
0xa3: {  	[sflag:s23] =	ssyncset.done $0x0  }
0xa4: {  	s25 =	simm.s32 $0x1B8E;
	s24 =	sld [smem:$0x3FFE];
	[sflag:s23] =	ssyncadd.s32 $0xFFFFFFFF  }
0xa5: {  	s26 =	simm.s32 $execute0_lowered;
	[smem:$0x3FD2] =	sst s25  }
0xa6: {  	s5 =	sshll.u32 s26, $0x1;
	_ =	strace $0x80000046;
	[dreg:$0x1] =	wrdreg $0xFFFFFFFF  }
0xa7: {  	s28 =	simm.s32 $_size_execute0_lowered;
	s3 =	sadd.s32 s3, s5;
	[dreg:$0x0] =	wrdreg $0x0  }
0xa8: {  	s5 =	sshll.u32 s28, $0x1;
	[dreg:$0x2] =	wrdreg s3  }
0xa9: {  	[dreg:$0x3] =	wrdreg s5  }
0xaa: {  	[dreg:$0x4] =	wrdreg $0xC0  }
0xab: {  	_ =	task [dreg:s7], $0x5FFFF  }
0xac: {  	[dreg:$0x1] =	wrdreg $0xFFFFFFFF  }
0xad: {  	[dreg:$0x0] =	wrdreg $0x60  }
0xae: {  	[dreg:$0x2] =	wrdreg s24  }
0xaf: {  	[dreg:$0x3] =	wrdreg s2  }
0xb0: {  	[dreg:$0x4] =	wrdreg $0x9  }
0xb1: {  	_ =	task.clear_ibuf [dreg:s7], $0x5FFFF;
	_ =	strace $0x90000046  }
0xb2: {  	s29 =	simm.s32 $0x9;
	_ =	strace $0x80000048  }
0xb3: {  	_ =	swait.ge [sflag:s29], $0x1  }
0xb4: {  	[sflag:s29] =	ssyncadd.s32 $0xFFFFFFFF  }
0xb5: {  	_ =	strace $0x90000048  }
0xb6: {  	_ =	sfence  }
0xb7: {  	s30 =	sld [smem:$0x0];
	_ =	sdelay $0x2  }
0xb8: {  	s31 =	sshll.u32 s1, $0xD;
	s1 =	sshrl.u32 s1, $0x2  }
0xb9: {  	s3 =	sand.u32 $0x4000, s31;
	s1 =	sadd.s32 s1, s30  }
0xba: {  	s0 =	sor.u32 s3, s0;
	s1 =	sshll.u32 s1, $0x11  }
0xbb: {  	s0 =	sor.u32 s1, s0  }
0xbc: {  	s0 =	sadd.s32 $0x8F2B, s0  }
0xbd: {  	[sflag:s0] =	ssyncadd.remote.s32 $0x1  }
0xbe: {  	_ =	sfence.sel $0xFFFF  }
0xbf: {  	[dreg:$0x0] =	wrdreg $0xFFFFFFFF;
	(pc) =	sbr.abs _section_cstart, $3  }
0xc0: {  	[dreg:$0x1] =	wrdreg $0xFFFFFFFF  }
0xc1: {  	_ =	task.clear_ibuf [dreg:s7], $0x2FFFF;
	_ =	strace $0x9FFFFFFF  }
0xc2: {  	(tm) =	ssettm $0x7FFFFFFF  }
0xc3: {  	_ =	shalt  }
tec
execute0_lowered:
.L_overlay_start_1:
0x0: {  	(tag) =	ssettag $0x1  }
0x1: {  	s6 =	rddreg [dreg:$0x0]  }
0x2: {  	s7 =	rddreg [dreg:$0x1]  }
0x3: {  	s0 =	rddreg [dreg:$0x2]  }
0x4: {  	s3 =	srdreg.scid;
	s1 =	stileid.u32  }
0x5: {  	s2 =	simm.s32 $0x0;
	s10 =	simm.s32 $0x7;
	s11 =	simm.s32 $0xC8  }
0x6: {  	s12 =	simm.s32 $0x6400;
	s13 =	simm.s32 $0xC800;
	s14 =	simm.s32 $0x9600  }
0x7: {  	s15 =	simm.s32 $0xFA00;
	s16 =	simm.s32 $0x1;
	s17 =	simm.s32 $0x3  }
0x8: {  	s18 =	simm.s32 $0x12C00;
	s19 =	simm.s32 $0x2;
	s20 =	simm.s32 $0x4  }
0x9: {  	s21 =	simm.s32 $0x19000;
	s22 =	simm.s32 $0x5;
	s23 =	simm.s32 $0x6  }
0xa: {  	s24 =	simm.s32 $0x0;
	s3 =	sand.u32 $0x1, s3;
	s4 =	sshll.u32 s1, $0x1  }
.Ltmp0:
0xb: {  	[smem:$0x7FF] =	sst s2;
	s4 =	sor.u32 s3, s4;
	(pc) =	sbr.rel .LBB2_1-.Ltmp0, $4  }
0xc: {  	s5 =	sadd.s32 $0xF42E00, s6;
	s8 =	ssub.s32 $0x2, s3;
	s3 =	smul.u32 $0x6400, s4  }
0xd: {  	_ =	strace $0x80000047;
	s4 =	sadd.s32 $0x16E4000, s6;
	s9 =	sshrl.u32 s8, $0x1  }
0xe: {  	s6 =	sadd.s32 $0xA00, s6;
	s9 =	ssub.s32 s8, s9;
	s31 =	sshrl.u32 s3, $0x3  }
0xf: {  	s8 =	sor.u32 $0xC8, s3;
	s9 =	smax.u32 s9, $0x1;
	s7 =	sadd.s32 s7, s31  }
.LBB2_8:
0x10: {  	s24 =	sadd.s32 $0x1, s24  }
0x11: {  	_ =	swait.ge [sflag:s22], $0x6400;
	p0 =	sne.s32 s24, s9  }
.Ltmp1:
0x12: {  	[sflag:s22] =	ssyncset.done $0x0;
	(pc) =	sbr.rel @!p0 .LBB2_9-.Ltmp1, $4  }
0x13: {  	[sflag:s22] =	ssyncadd.s32 $0xFFFF9C00  }
0x14: {  	_ =	swait.ge [sflag:s23], $0x6400  }
0x15: {  	[sflag:s23] =	ssyncset.done $0x0  }
0x16: {  	[sflag:s23] =	ssyncadd.s32 $0xFFFF9C00  }
.LBB2_1:
0x17: {  	[tilespmem:s2], [sflag:$0x7] =	stream.linear.gather [hbm4b:s7+s2], $0x6400, $0x38;
	[tilespmem:$0x1F400] =	vst v63  }
0x18: {  	_ =	swait.ge [sflag:s10], $0x6400  }
0x19: {  	[sflag:s10] =	ssyncset.done $0x0  }
0x1a: {  	[sflag:s10] =	ssyncadd.s32 $0xFFFF9C00  }
0x1b: {  	[tilespmem:s12], [sflag:$0x1] =	stream.indirect.gather [hbm4b:s4+s11], $0x40, s2, s11, $0xb8;
	[tilespmem:$0x1F400] =	vst v63  }
0x1c: {  	_ = 	snop  }
0x1d: {  	[tilespmem:s13], [sflag:$0x3] =	stream.indirect.gather [hbm4b:s5+s11], $0x40, s2, s11, $0xb8;
	[tilespmem:$0x1F400] =	vst v63  }
0x1e: {  	_ = 	snop  }
0x1f: {  	[tilespmem:s14], [sflag:$0x2] =	stream.indirect.gather [hbm4b:s4+s11], $0x40, s11, s11, $0xb8;
	[tilespmem:$0x1F400] =	vst v63  }
0x20: {  	s25 =	simm.s32 $0x0  }
0x21: {  	[tilespmem:s15], [sflag:$0x4] =	stream.indirect.gather [hbm4b:s5+s11], $0x40, s11, s11, $0xb8;
	[tilespmem:$0x1F400] =	vst v63  }
.LBB2_2:
0x22: {  	_ =	swait.ge [sflag:s16], $0x3200  }
0x23: {  	[sflag:s16] =	ssyncset.done $0x0  }
0x24: {  	[sflag:s16] =	ssyncadd.s32 $0xFFFFCE00  }
0x25: {  	_ =	swait.ge [sflag:s17], $0x3200  }
0x26: {  	p0 =	seq.s32 s25, $0x0;
	[sflag:s17] =	ssyncset.done $0x0  }
0x27: {  	s26 =	simm.s32 @!p0 $0x5;
	[sflag:s17] =	ssyncadd.s32 $0xFFFFCE00  }
0x28: {  	_ =	swait.ge @!p0 [sflag:s26], $0x6400  }
0x29: {  	[sflag:s26] =	ssyncset.done @!p0 $0x0  }
0x2a: {  	[sflag:s26] =	ssyncadd.s32 @!p0 $0xFFFF9C00;
	s26 =	simm.s32 $0xC880  }
0x2b: {  	v0 =	vld [tilespmem:s26+$0xFFFFFF80]  }
0x2c: {  	s28 =	simm.s32 $0x6480  }
0x2d: {  	v1 =	vld [tilespmem:s28+$0xFFFFFF80];
	_ =	sdelay $0x2  }
0x2e: {  	v0 =	vmul.f32 $8.000000000e+00, v0;
	_ =	sdelay $0x1  }
0x2f: {  	v0 =	vadd.f32 v0, v1  }
0x30: {  	s29 =	simm.s32 $0x12D00  }
0x31: {  	[tilespmem:s29+$0xFFFFFF00] =	vst v0  }
0x32: {  	v0 =	vld [tilespmem:s26+$0xFFFFFF90];
	_ =	sdelay $0x1  }
0x33: {  	v1 =	vld [tilespmem:s28+$0xFFFFFF90];
	_ =	sdelay $0x2  }
0x34: {  	v0 =	vmul.f32 $8.000000000e+00, v0;
	_ =	sdelay $0x1  }
0x35: {  	v0 =	vadd.f32 v0, v1;
	_ =	sdelay $0x1  }
0x36: {  	[tilespmem:s29+$0xFFFFFF10] =	vst v0  }
0x37: {  	v0 =	vld [tilespmem:s26+$0xFFFFFFA0];
	_ =	sdelay $0x1  }
0x38: {  	v1 =	vld [tilespmem:s28+$0xFFFFFFA0];
	_ =	sdelay $0x2  }
0x39: {  	v0 =	vmul.f32 $8.000000000e+00, v0;
	_ =	sdelay $0x1  }
0x3a: {  	v0 =	vadd.f32 v0, v1;
	_ =	sdelay $0x1  }
0x3b: {  	[tilespmem:s29+$0xFFFFFF20] =	vst v0  }
0x3c: {  	v0 =	vld [tilespmem:s26+$0xFFFFFFB0];
	_ =	sdelay $0x1  }
0x3d: {  	v1 =	vld [tilespmem:s28+$0xFFFFFFB0];
	_ =	sdelay $0x2  }
0x3e: {  	v0 =	vmul.f32 $8.000000000e+00, v0;
	_ =	sdelay $0x1  }
0x3f: {  	v0 =	vadd.f32 v0, v1;
	_ =	sdelay $0x1  }
0x40: {  	[tilespmem:s29+$0xFFFFFF30] =	vst v0  }
0x41: {  	v0 =	vld [tilespmem:s26+$0xFFFFFFC0];
	_ =	sdelay $0x1  }
0x42: {  	v1 =	vld [tilespmem:s28+$0xFFFFFFC0];
	_ =	sdelay $0x2  }
0x43: {  	v0 =	vmul.f32 $8.000000000e+00, v0;
	_ =	sdelay $0x1  }
0x44: {  	v0 =	vadd.f32 v0, v1;
	_ =	sdelay $0x1  }
0x45: {  	[tilespmem:s29+$0xFFFFFF80] =	vst v0  }
0x46: {  	v0 =	vld [tilespmem:s26+$0xFFFFFFD0];
	_ =	sdelay $0x1  }
0x47: {  	v1 =	vld [tilespmem:s28+$0xFFFFFFD0];
	_ =	sdelay $0x2  }
0x48: {  	v0 =	vmul.f32 $8.000000000e+00, v0;
	_ =	sdelay $0x1  }
0x49: {  	v0 =	vadd.f32 v0, v1;
	_ =	sdelay $0x1  }
0x4a: {  	[tilespmem:s29+$0xFFFFFF90] =	vst v0  }
0x4b: {  	v0 =	vld [tilespmem:s26+$0xFFFFFFE0];
	_ =	sdelay $0x1  }
0x4c: {  	v1 =	vld [tilespmem:s28+$0xFFFFFFE0];
	_ =	sdelay $0x2  }
0x4d: {  	v0 =	vmul.f32 $8.000000000e+00, v0;
	_ =	sdelay $0x1  }
0x4e: {  	v0 =	vadd.f32 v0, v1;
	_ =	sdelay $0x1  }
0x4f: {  	[tilespmem:s29+$0xFFFFFFA0] =	vst v0  }
0x50: {  	v0 =	vld [tilespmem:s26+$0xFFFFFFF0];
	_ =	sdelay $0x1  }
0x51: {  	v1 =	vld [tilespmem:s28+$0xFFFFFFF0];
	_ =	sdelay $0x2  }
0x52: {  	v0 =	vmul.f32 $8.000000000e+00, v0;
	_ =	sdelay $0x1  }
0x53: {  	v0 =	vadd.f32 v0, v1;
	_ =	sdelay $0x1  }
0x54: {  	[tilespmem:s29+$0xFFFFFFB0] =	vst v0  }
0x55: {  	v0 =	vld [tilespmem:s26+$0x0];
	_ =	sdelay $0x1  }
0x56: {  	v1 =	vld [tilespmem:s28+$0x0];
	_ =	sdelay $0x2  }
0x57: {  	v0 =	vmul.f32 $8.000000000e+00, v0;
	_ =	sdelay $0x1  }
0x58: {  	v0 =	vadd.f32 v0, v1;
	_ =	sdelay $0x1  }
0x59: {  	[tilespmem:s29+$0x0] =	vst v0  }
0x5a: {  	v0 =	vld [tilespmem:s26+$0x10];
	_ =	sdelay $0x1  }
0x5b: {  	v1 =	vld [tilespmem:s28+$0x10];
	_ =	sdelay $0x2  }
0x5c: {  	v0 =	vmul.f32 $8.000000000e+00, v0;
	_ =	sdelay $0x1  }
0x5d: {  	v0 =	vadd.f32 v0, v1;
	_ =	sdelay $0x1  }
0x5e: {  	[tilespmem:s29+$0x10] =	vst v0  }
0x5f: {  	v0 =	vld [tilespmem:s26+$0x20];
	_ =	sdelay $0x1  }
0x60: {  	v1 =	vld [tilespmem:s28+$0x20];
	_ =	sdelay $0x2  }
0x61: {  	v0 =	vmul.f32 $8.000000000e+00, v0;
	_ =	sdelay $0x1  }
0x62: {  	v0 =	vadd.f32 v0, v1;
	_ =	sdelay $0x1  }
0x63: {  	[tilespmem:s29+$0x20] =	vst v0  }
0x64: {  	v0 =	vld [tilespmem:s26+$0x30];
	_ =	sdelay $0x1  }
0x65: {  	v1 =	vld [tilespmem:s28+$0x30];
	_ =	sdelay $0x2  }
0x66: {  	v0 =	vmul.f32 $8.000000000e+00, v0;
	_ =	sdelay $0x1  }
0x67: {  	v0 =	vadd.f32 v0, v1;
	_ =	sdelay $0x1  }
0x68: {  	[tilespmem:s29+$0x30] =	vst v0  }
0x69: {  	v0 =	vld [tilespmem:s26+$0x40];
	_ =	sdelay $0x1  }
0x6a: {  	v1 =	vld [tilespmem:s28+$0x40];
	_ =	sdelay $0x2  }
0x6b: {  	v0 =	vmul.f32 $8.000000000e+00, v0;
	_ =	sdelay $0x1  }
0x6c: {  	v0 =	vadd.f32 v0, v1;
	_ =	sdelay $0x1  }
0x6d: {  	[tilespmem:s29+$0x80] =	vst v0  }
0x6e: {  	v0 =	vld [tilespmem:s26+$0x50];
	_ =	sdelay $0x1  }
0x6f: {  	v1 =	vld [tilespmem:s28+$0x50];
	_ =	sdelay $0x2  }
0x70: {  	v0 =	vmul.f32 $8.000000000e+00, v0;
	_ =	sdelay $0x1  }
0x71: {  	v0 =	vadd.f32 v0, v1;
	_ =	sdelay $0x1  }
0x72: {  	[tilespmem:s29+$0x90] =	vst v0  }
0x73: {  	v0 =	vld [tilespmem:s26+$0x60];
	_ =	sdelay $0x1  }
0x74: {  	v1 =	vld [tilespmem:s28+$0x60];
	_ =	sdelay $0x2  }
0x75: {  	v0 =	vmul.f32 $8.000000000e+00, v0;
	_ =	sdelay $0x1  }
0x76: {  	v0 =	vadd.f32 v0, v1;
	_ =	sdelay $0x1  }
0x77: {  	[tilespmem:s29+$0xA0] =	vst v0  }
0x78: {  	v0 =	vld [tilespmem:s26+$0x70];
	_ =	sdelay $0x1  }
0x79: {  	v1 =	vld [tilespmem:s28+$0x70];
	_ =	sdelay $0x2  }
0x7a: {  	v0 =	vmul.f32 $8.000000000e+00, v0;
	_ =	sdelay $0x1  }
0x7b: {  	v0 =	vadd.f32 v0, v1  }
0x7c: {  	s30 =	simm.s32 $0x0;
	s31 =	simm.s32 $0x12F00  }
.LBB2_3:
0x7d: {  	s30 =	sadd.s32 $0x4, s30;
	[tilespmem:s29+$0xB0] =	vst v0;
	s26 =	sadd.s32 $0x100, s26;
	s28 =	sadd.s32 $0x100, s28  }
0x7e: {  	s29 =	smov.u32 s31;
	v0 =	vld [tilespmem:s26+$0xFFFFFF80];
	p1 =	slt.u32 s30, $0xC4;
	_ =	sdelay $0x1  }
0x7f: {  	v1 =	vld [tilespmem:s28+$0xFFFFFF80];
	_ =	sdelay $0x2  }
0x80: {  	v0 =	vmul.f32 $8.000000000e+00, v0;
	_ =	sdelay $0x1  }
0x81: {  	v0 =	vadd.f32 v0, v1;
	_ =	sdelay $0x1  }
0x82: {  	[tilespmem:s31+$0xFFFFFF00] =	vst v0  }
0x83: {  	v0 =	vld [tilespmem:s26+$0xFFFFFF90];
	_ =	sdelay $0x1  }
0x84: {  	v1 =	vld [tilespmem:s28+$0xFFFFFF90];
	_ =	sdelay $0x2  }
0x85: {  	v0 =	vmul.f32 $8.000000000e+00, v0;
	_ =	sdelay $0x1  }
0x86: {  	v0 =	vadd.f32 v0, v1;
	_ =	sdelay $0x1  }
0x87: {  	[tilespmem:s31+$0xFFFFFF10] =	vst v0  }
0x88: {  	v0 =	vld [tilespmem:s26+$0xFFFFFFA0];
	_ =	sdelay $0x1  }
0x89: {  	v1 =	vld [tilespmem:s28+$0xFFFFFFA0];
	_ =	sdelay $0x2  }
0x8a: {  	v0 =	vmul.f32 $8.000000000e+00, v0;
	_ =	sdelay $0x1  }
0x8b: {  	v0 =	vadd.f32 v0, v1;
	_ =	sdelay $0x1  }
0x8c: {  	[tilespmem:s31+$0xFFFFFF20] =	vst v0  }
0x8d: {  	v0 =	vld [tilespmem:s26+$0xFFFFFFB0];
	_ =	sdelay $0x1  }
0x8e: {  	v1 =	vld [tilespmem:s28+$0xFFFFFFB0];
	_ =	sdelay $0x2  }
0x8f: {  	v0 =	vmul.f32 $8.000000000e+00, v0;
	_ =	sdelay $0x1  }
0x90: {  	v0 =	vadd.f32 v0, v1;
	_ =	sdelay $0x1  }
0x91: {  	[tilespmem:s31+$0xFFFFFF30] =	vst v0  }
0x92: {  	v0 =	vld [tilespmem:s26+$0xFFFFFFC0];
	_ =	sdelay $0x1  }
0x93: {  	v1 =	vld [tilespmem:s28+$0xFFFFFFC0];
	_ =	sdelay $0x2  }
0x94: {  	v0 =	vmul.f32 $8.000000000e+00, v0;
	_ =	sdelay $0x1  }
0x95: {  	v0 =	vadd.f32 v0, v1;
	_ =	sdelay $0x1  }
0x96: {  	[tilespmem:s31+$0xFFFFFF80] =	vst v0  }
0x97: {  	v0 =	vld [tilespmem:s26+$0xFFFFFFD0];
	_ =	sdelay $0x1  }
0x98: {  	v1 =	vld [tilespmem:s28+$0xFFFFFFD0];
	_ =	sdelay $0x2  }
0x99: {  	v0 =	vmul.f32 $8.000000000e+00, v0;
	_ =	sdelay $0x1  }
0x9a: {  	v0 =	vadd.f32 v0, v1;
	_ =	sdelay $0x1  }
0x9b: {  	[tilespmem:s31+$0xFFFFFF90] =	vst v0  }
0x9c: {  	v0 =	vld [tilespmem:s26+$0xFFFFFFE0];
	_ =	sdelay $0x1  }
0x9d: {  	v1 =	vld [tilespmem:s28+$0xFFFFFFE0];
	_ =	sdelay $0x2  }
0x9e: {  	v0 =	vmul.f32 $8.000000000e+00, v0;
	_ =	sdelay $0x1  }
0x9f: {  	v0 =	vadd.f32 v0, v1;
	_ =	sdelay $0x1  }
0xa0: {  	[tilespmem:s31+$0xFFFFFFA0] =	vst v0  }
0xa1: {  	v0 =	vld [tilespmem:s26+$0xFFFFFFF0];
	_ =	sdelay $0x1  }
0xa2: {  	v1 =	vld [tilespmem:s28+$0xFFFFFFF0];
	_ =	sdelay $0x2  }
0xa3: {  	v0 =	vmul.f32 $8.000000000e+00, v0;
	_ =	sdelay $0x1  }
0xa4: {  	v0 =	vadd.f32 v0, v1;
	_ =	sdelay $0x1  }
0xa5: {  	[tilespmem:s31+$0xFFFFFFB0] =	vst v0  }
0xa6: {  	v0 =	vld [tilespmem:s26+$0x0];
	_ =	sdelay $0x1  }
0xa7: {  	v1 =	vld [tilespmem:s28+$0x0];
	_ =	sdelay $0x2  }
0xa8: {  	v0 =	vmul.f32 $8.000000000e+00, v0;
	_ =	sdelay $0x1  }
0xa9: {  	v0 =	vadd.f32 v0, v1;
	_ =	sdelay $0x1  }
0xaa: {  	[tilespmem:s31+$0x0] =	vst v0  }
0xab: {  	v0 =	vld [tilespmem:s26+$0x10]  }
0xac: {  	v1 =	vld [tilespmem:s28+$0x10];
	_ =	sdelay $0x3  }
0xad: {  	v0 =	vmul.f32 $8.000000000e+00, v0;
	_ =	sdelay $0x1  }
0xae: {  	v0 =	vadd.f32 v0, v1;
	_ =	sdelay $0x1  }
0xaf: {  	[tilespmem:s31+$0x10] =	vst v0  }
0xb0: {  	v0 =	vld [tilespmem:s26+$0x20]  }
0xb1: {  	v1 =	vld [tilespmem:s28+$0x20];
	_ =	sdelay $0x3  }
0xb2: {  	v0 =	vmul.f32 $8.000000000e+00, v0;
	_ =	sdelay $0x1  }
0xb3: {  	v0 =	vadd.f32 v0, v1;
	_ =	sdelay $0x1  }
0xb4: {  	[tilespmem:s31+$0x20] =	vst v0  }
0xb5: {  	v0 =	vld [tilespmem:s26+$0x30]  }
0xb6: {  	v1 =	vld [tilespmem:s28+$0x30];
	_ =	sdelay $0x3  }
0xb7: {  	v0 =	vmul.f32 $8.000000000e+00, v0;
	_ =	sdelay $0x1  }
0xb8: {  	v0 =	vadd.f32 v0, v1;
	_ =	sdelay $0x1  }
0xb9: {  	[tilespmem:s31+$0x30] =	vst v0  }
0xba: {  	v0 =	vld [tilespmem:s26+$0x40]  }
0xbb: {  	v1 =	vld [tilespmem:s28+$0x40];
	_ =	sdelay $0x3  }
0xbc: {  	v0 =	vmul.f32 $8.000000000e+00, v0;
	_ =	sdelay $0x1  }
0xbd: {  	v0 =	vadd.f32 v0, v1;
	_ =	sdelay $0x1  }
0xbe: {  	[tilespmem:s31+$0x80] =	vst v0  }
0xbf: {  	v0 =	vld [tilespmem:s26+$0x50]  }
0xc0: {  	v1 =	vld [tilespmem:s28+$0x50];
	_ =	sdelay $0x3  }
0xc1: {  	v0 =	vmul.f32 $8.000000000e+00, v0;
	_ =	sdelay $0x1  }
0xc2: {  	v0 =	vadd.f32 v0, v1;
	_ =	sdelay $0x1  }
0xc3: {  	[tilespmem:s31+$0x90] =	vst v0  }
0xc4: {  	v0 =	vld [tilespmem:s26+$0x60]  }
0xc5: {  	v1 =	vld [tilespmem:s28+$0x60];
	_ =	sdelay $0x3  }
0xc6: {  	v0 =	vmul.f32 $8.000000000e+00, v0;
	_ =	sdelay $0x1  }
0xc7: {  	v0 =	vadd.f32 v0, v1;
	_ =	sdelay $0x1  }
0xc8: {  	[tilespmem:s31+$0xA0] =	vst v0  }
0xc9: {  	v0 =	vld [tilespmem:s26+$0x70]  }
0xca: {  	v1 =	vld [tilespmem:s28+$0x70];
	_ =	sdelay $0x2  }
.Ltmp2:
0xcb: {  	(pc) =	sbr.rel @p1 .LBB2_3-.Ltmp2, $3  }
0xcc: {  	v0 =	vmul.f32 $8.000000000e+00, v0;
	_ =	sdelay $0x1  }
0xcd: {  	v0 =	vadd.f32 v0, v1  }
0xce: {  	s31 =	sadd.s32 $0x200, s31  }
0xcf: {  	s26 =	smul.u32 $0x190, s25;
	_ =	sdelay $0x1  }
0xd0: {  	s28 =	sadd.s32 s3, s26  }
0xd1: {  	p1 =	seq.s32 s25, $0x3F;
	s28 =	sshll.u32 s28, $0x4  }
0xd2: {  	[tilespmem:s29+$0xB0] =	vst v0;
	s29 =	smul.u32 @!p1 $0x640, s25;
	s28 =	sadd.s32 s6, s28  }
0xd3: {  	[hbm4b:s28+s2] =	stream.linear.scatter [tilespmem:s18], [sflag:$0x5], $0x6400, $0x38;
	[tilespmem:$0x1F400] =	vst v63  }
0xd4: {  	s28 =	sshra.s32 @!p1 s29, $0x2  }
0xd5: {  	s30 =	simm.s32 @!p1 $0x6400;
	s29 =	simm.s32 @!p1 $0xC8;
	s28 =	sadd.s32 @!p1 $0x190, s28  }
0xd6: {  	[tilespmem:s30], [sflag:$0x1] =	stream.indirect.gather @!p1 [hbm4b:s4+s29], $0x40, s28, s29, $0xb8;
	[tilespmem:$0x1F400] =	vst v63  }
0xd7: {  	s30 =	simm.s32 @!p1 $0xC800  }
0xd8: {  	[tilespmem:s30], [sflag:$0x3] =	stream.indirect.gather @!p1 [hbm4b:s5+s29], $0x40, s28, s29, $0xb8;
	[tilespmem:$0x1F400] =	vst v63  }
0xd9: {  	_ =	swait.ge [sflag:s19], $0x3200  }
0xda: {  	[sflag:s19] =	ssyncset.done $0x0  }
0xdb: {  	[sflag:s19] =	ssyncadd.s32 $0xFFFFCE00  }
0xdc: {  	_ =	swait.ge [sflag:s20], $0x3200  }
0xdd: {  	[sflag:s20] =	ssyncset.done $0x0  }
0xde: {  	s28 =	simm.s32 @!p0 $0x6;
	[sflag:s20] =	ssyncadd.s32 $0xFFFFCE00  }
0xdf: {  	_ =	swait.ge @!p0 [sflag:s28], $0x6400  }
0xe0: {  	[sflag:s28] =	ssyncset.done @!p0 $0x0  }
0xe1: {  	s30 =	simm.s32 $0xFAF0;
	[sflag:s28] =	ssyncadd.s32 @!p0 $0xFFFF9C00  }
0xe2: {  	v0 =	vld [tilespmem:s30+$0xFFFFFF10]  }
0xe3: {  	s29 =	simm.s32 $0x96F0  }
0xe4: {  	v1 =	vld [tilespmem:s29+$0xFFFFFF10];
	_ =	sdelay $0x2  }
0xe5: {  	v0 =	vmul.f32 $8.000000000e+00, v0;
	_ =	sdelay $0x1  }
0xe6: {  	v0 =	vadd.f32 v0, v1  }
0xe7: {  	s28 =	simm.s32 $0x191B0  }
0xe8: {  	[tilespmem:s28+$0xFFFFFE50] =	vst v0  }
0xe9: {  	v0 =	vld [tilespmem:s30+$0xFFFFFF20];
	_ =	sdelay $0x1  }
0xea: {  	v1 =	vld [tilespmem:s29+$0xFFFFFF20];
	_ =	sdelay $0x2  }
0xeb: {  	v0 =	vmul.f32 $8.000000000e+00, v0;
	_ =	sdelay $0x1  }
0xec: {  	v0 =	vadd.f32 v0, v1;
	_ =	sdelay $0x1  }
0xed: {  	[tilespmem:s28+$0xFFFFFE60] =	vst v0  }
0xee: {  	v0 =	vld [tilespmem:s30+$0xFFFFFF30];
	_ =	sdelay $0x1  }
0xef: {  	v1 =	vld [tilespmem:s29+$0xFFFFFF30];
	_ =	sdelay $0x2  }
0xf0: {  	v0 =	vmul.f32 $8.000000000e+00, v0;
	_ =	sdelay $0x1  }
0xf1: {  	v0 =	vadd.f32 v0, v1;
	_ =	sdelay $0x1  }
0xf2: {  	[tilespmem:s28+$0xFFFFFE70] =	vst v0  }
0xf3: {  	v0 =	vld [tilespmem:s30+$0xFFFFFF40];
	_ =	sdelay $0x1  }
0xf4: {  	v1 =	vld [tilespmem:s29+$0xFFFFFF40];
	_ =	sdelay $0x2  }
0xf5: {  	v0 =	vmul.f32 $8.000000000e+00, v0;
	_ =	sdelay $0x1  }
0xf6: {  	v0 =	vadd.f32 v0, v1;
	_ =	sdelay $0x1  }
0xf7: {  	[tilespmem:s28+$0xFFFFFE80] =	vst v0  }
0xf8: {  	v0 =	vld [tilespmem:s30+$0xFFFFFF50];
	_ =	sdelay $0x1  }
0xf9: {  	v1 =	vld [tilespmem:s29+$0xFFFFFF50];
	_ =	sdelay $0x2  }
0xfa: {  	v0 =	vmul.f32 $8.000000000e+00, v0;
	_ =	sdelay $0x1  }
0xfb: {  	v0 =	vadd.f32 v0, v1;
	_ =	sdelay $0x1  }
0xfc: {  	[tilespmem:s28+$0xFFFFFED0] =	vst v0  }
0xfd: {  	v0 =	vld [tilespmem:s30+$0xFFFFFF60];
	_ =	sdelay $0x1  }
0xfe: {  	v1 =	vld [tilespmem:s29+$0xFFFFFF60];
	_ =	sdelay $0x2  }
0xff: {  	v0 =	vmul.f32 $8.000000000e+00, v0;
	_ =	sdelay $0x1  }
0x100: {  	v0 =	vadd.f32 v0, v1;
	_ =	sdelay $0x1  }
0x101: {  	[tilespmem:s28+$0xFFFFFEE0] =	vst v0  }
0x102: {  	v0 =	vld [tilespmem:s30+$0xFFFFFF70];
	_ =	sdelay $0x1  }
0x103: {  	v1 =	vld [tilespmem:s29+$0xFFFFFF70];
	_ =	sdelay $0x2  }
0x104: {  	v0 =	vmul.f32 $8.000000000e+00, v0;
	_ =	sdelay $0x1  }
0x105: {  	v0 =	vadd.f32 v0, v1;
	_ =	sdelay $0x1  }
0x106: {  	[tilespmem:s28+$0xFFFFFEF0] =	vst v0  }
0x107: {  	v0 =	vld [tilespmem:s30+$0xFFFFFF80];
	_ =	sdelay $0x1  }
0x108: {  	v1 =	vld [tilespmem:s29+$0xFFFFFF80];
	_ =	sdelay $0x2  }
0x109: {  	v0 =	vmul.f32 $8.000000000e+00, v0;
	_ =	sdelay $0x1  }
0x10a: {  	v0 =	vadd.f32 v0, v1;
	_ =	sdelay $0x1  }
0x10b: {  	[tilespmem:s28+$0xFFFFFF00] =	vst v0  }
0x10c: {  	v0 =	vld [tilespmem:s30+$0xFFFFFF90];
	_ =	sdelay $0x1  }
0x10d: {  	v1 =	vld [tilespmem:s29+$0xFFFFFF90];
	_ =	sdelay $0x2  }
0x10e: {  	v0 =	vmul.f32 $8.000000000e+00, v0;
	_ =	sdelay $0x1  }
0x10f: {  	v0 =	vadd.f32 v0, v1;
	_ =	sdelay $0x1  }
0x110: {  	[tilespmem:s28+$0xFFFFFF50] =	vst v0  }
0x111: {  	v0 =	vld [tilespmem:s30+$0xFFFFFFA0];
	_ =	sdelay $0x1  }
0x112: {  	v1 =	vld [tilespmem:s29+$0xFFFFFFA0];
	_ =	sdelay $0x2  }
0x113: {  	v0 =	vmul.f32 $8.000000000e+00, v0;
	_ =	sdelay $0x1  }
0x114: {  	v0 =	vadd.f32 v0, v1;
	_ =	sdelay $0x1  }
0x115: {  	[tilespmem:s28+$0xFFFFFF60] =	vst v0  }
0x116: {  	v0 =	vld [tilespmem:s30+$0xFFFFFFB0];
	_ =	sdelay $0x1  }
0x117: {  	v1 =	vld [tilespmem:s29+$0xFFFFFFB0];
	_ =	sdelay $0x2  }
0x118: {  	v0 =	vmul.f32 $8.000000000e+00, v0;
	_ =	sdelay $0x1  }
0x119: {  	v0 =	vadd.f32 v0, v1;
	_ =	sdelay $0x1  }
0x11a: {  	[tilespmem:s28+$0xFFFFFF70] =	vst v0  }
0x11b: {  	v0 =	vld [tilespmem:s30+$0xFFFFFFC0];
	_ =	sdelay $0x1  }
0x11c: {  	v1 =	vld [tilespmem:s29+$0xFFFFFFC0];
	_ =	sdelay $0x2  }
0x11d: {  	v0 =	vmul.f32 $8.000000000e+00, v0;
	_ =	sdelay $0x1  }
0x11e: {  	v0 =	vadd.f32 v0, v1;
	_ =	sdelay $0x1  }
0x11f: {  	[tilespmem:s28+$0xFFFFFF80] =	vst v0  }
0x120: {  	v0 =	vld [tilespmem:s30+$0xFFFFFFD0];
	_ =	sdelay $0x1  }
0x121: {  	v1 =	vld [tilespmem:s29+$0xFFFFFFD0];
	_ =	sdelay $0x2  }
0x122: {  	v0 =	vmul.f32 $8.000000000e+00, v0;
	_ =	sdelay $0x1  }
0x123: {  	v0 =	vadd.f32 v0, v1;
	_ =	sdelay $0x1  }
0x124: {  	[tilespmem:s28+$0xFFFFFFD0] =	vst v0  }
0x125: {  	v0 =	vld [tilespmem:s30+$0xFFFFFFE0];
	_ =	sdelay $0x1  }
0x126: {  	v1 =	vld [tilespmem:s29+$0xFFFFFFE0];
	_ =	sdelay $0x2  }
0x127: {  	v0 =	vmul.f32 $8.000000000e+00, v0;
	_ =	sdelay $0x1  }
0x128: {  	v0 =	vadd.f32 v0, v1;
	_ =	sdelay $0x1  }
0x129: {  	[tilespmem:s28+$0xFFFFFFE0] =	vst v0  }
0x12a: {  	v0 =	vld [tilespmem:s30+$0xFFFFFFF0];
	_ =	sdelay $0x1  }
0x12b: {  	v1 =	vld [tilespmem:s29+$0xFFFFFFF0];
	_ =	sdelay $0x2  }
0x12c: {  	v0 =	vmul.f32 $8.000000000e+00, v0;
	_ =	sdelay $0x1  }
0x12d: {  	v0 =	vadd.f32 v0, v1;
	_ =	sdelay $0x1  }
0x12e: {  	[tilespmem:s28+$0xFFFFFFF0] =	vst v0  }
0x12f: {  	v0 =	vld [tilespmem:s30+$0x0];
	_ =	sdelay $0x1  }
0x130: {  	v1 =	vld [tilespmem:s29+$0x0];
	_ =	sdelay $0x2  }
0x131: {  	v0 =	vmul.f32 $8.000000000e+00, v0;
	_ =	sdelay $0x1  }
0x132: {  	v0 =	vadd.f32 v0, v1  }
0x133: {  	s31 =	simm.s32 $0xFBF0;
	s30 =	simm.s32 $0x0  }
.LBB2_5:
0x134: {  	s30 =	sadd.s32 $0x4, s30;
	[tilespmem:s28+$0x0] =	vst v0;
	s28 =	sadd.s32 $0x200, s28;
	s29 =	sadd.s32 $0x100, s29  }
0x135: {  	v0 =	vld [tilespmem:s31+$0xFFFFFF10];
	p0 =	slt.u32 s30, $0xC4;
	_ =	sdelay $0x1  }
0x136: {  	v1 =	vld [tilespmem:s29+$0xFFFFFF10];
	_ =	sdelay $0x2  }
0x137: {  	v0 =	vmul.f32 $8.000000000e+00, v0;
	_ =	sdelay $0x1  }
0x138: {  	v0 =	vadd.f32 v0, v1;
	_ =	sdelay $0x1  }
0x139: {  	[tilespmem:s28+$0xFFFFFE50] =	vst v0  }
0x13a: {  	v0 =	vld [tilespmem:s31+$0xFFFFFF20];
	_ =	sdelay $0x1  }
0x13b: {  	v1 =	vld [tilespmem:s29+$0xFFFFFF20];
	_ =	sdelay $0x2  }
0x13c: {  	v0 =	vmul.f32 $8.000000000e+00, v0;
	_ =	sdelay $0x1  }
0x13d: {  	v0 =	vadd.f32 v0, v1;
	_ =	sdelay $0x1  }
0x13e: {  	[tilespmem:s28+$0xFFFFFE60] =	vst v0  }
0x13f: {  	v0 =	vld [tilespmem:s31+$0xFFFFFF30];
	_ =	sdelay $0x1  }
0x140: {  	v1 =	vld [tilespmem:s29+$0xFFFFFF30];
	_ =	sdelay $0x2  }
0x141: {  	v0 =	vmul.f32 $8.000000000e+00, v0;
	_ =	sdelay $0x1  }
0x142: {  	v0 =	vadd.f32 v0, v1;
	_ =	sdelay $0x1  }
0x143: {  	[tilespmem:s28+$0xFFFFFE70] =	vst v0  }
0x144: {  	v0 =	vld [tilespmem:s31+$0xFFFFFF40];
	_ =	sdelay $0x1  }
0x145: {  	v1 =	vld [tilespmem:s29+$0xFFFFFF40];
	_ =	sdelay $0x2  }
0x146: {  	v0 =	vmul.f32 $8.000000000e+00, v0;
	_ =	sdelay $0x1  }
0x147: {  	v0 =	vadd.f32 v0, v1;
	_ =	sdelay $0x1  }
0x148: {  	[tilespmem:s28+$0xFFFFFE80] =	vst v0  }
0x149: {  	v0 =	vld [tilespmem:s31+$0xFFFFFF50];
	_ =	sdelay $0x1  }
0x14a: {  	v1 =	vld [tilespmem:s29+$0xFFFFFF50];
	_ =	sdelay $0x2  }
0x14b: {  	v0 =	vmul.f32 $8.000000000e+00, v0;
	_ =	sdelay $0x1  }
0x14c: {  	v0 =	vadd.f32 v0, v1;
	_ =	sdelay $0x1  }
0x14d: {  	[tilespmem:s28+$0xFFFFFED0] =	vst v0  }
0x14e: {  	v0 =	vld [tilespmem:s31+$0xFFFFFF60];
	_ =	sdelay $0x1  }
0x14f: {  	v1 =	vld [tilespmem:s29+$0xFFFFFF60];
	_ =	sdelay $0x2  }
0x150: {  	v0 =	vmul.f32 $8.000000000e+00, v0;
	_ =	sdelay $0x1  }
0x151: {  	v0 =	vadd.f32 v0, v1;
	_ =	sdelay $0x1  }
0x152: {  	[tilespmem:s28+$0xFFFFFEE0] =	vst v0  }
0x153: {  	v0 =	vld [tilespmem:s31+$0xFFFFFF70];
	_ =	sdelay $0x1  }
0x154: {  	v1 =	vld [tilespmem:s29+$0xFFFFFF70];
	_ =	sdelay $0x2  }
0x155: {  	v0 =	vmul.f32 $8.000000000e+00, v0;
	_ =	sdelay $0x1  }
0x156: {  	v0 =	vadd.f32 v0, v1;
	_ =	sdelay $0x1  }
0x157: {  	[tilespmem:s28+$0xFFFFFEF0] =	vst v0  }
0x158: {  	v0 =	vld [tilespmem:s31+$0xFFFFFF80];
	_ =	sdelay $0x1  }
0x159: {  	v1 =	vld [tilespmem:s29+$0xFFFFFF80];
	_ =	sdelay $0x2  }
0x15a: {  	v0 =	vmul.f32 $8.000000000e+00, v0;
	_ =	sdelay $0x1  }
0x15b: {  	v0 =	vadd.f32 v0, v1;
	_ =	sdelay $0x1  }
0x15c: {  	[tilespmem:s28+$0xFFFFFF00] =	vst v0  }
0x15d: {  	v0 =	vld [tilespmem:s31+$0xFFFFFF90];
	_ =	sdelay $0x1  }
0x15e: {  	v1 =	vld [tilespmem:s29+$0xFFFFFF90];
	_ =	sdelay $0x2  }
0x15f: {  	v0 =	vmul.f32 $8.000000000e+00, v0;
	_ =	sdelay $0x1  }
0x160: {  	v0 =	vadd.f32 v0, v1;
	_ =	sdelay $0x1  }
0x161: {  	[tilespmem:s28+$0xFFFFFF50] =	vst v0  }
0x162: {  	v0 =	vld [tilespmem:s31+$0xFFFFFFA0]  }
0x163: {  	v1 =	vld [tilespmem:s29+$0xFFFFFFA0];
	_ =	sdelay $0x3  }
0x164: {  	v0 =	vmul.f32 $8.000000000e+00, v0;
	_ =	sdelay $0x1  }
0x165: {  	v0 =	vadd.f32 v0, v1;
	_ =	sdelay $0x1  }
0x166: {  	[tilespmem:s28+$0xFFFFFF60] =	vst v0  }
0x167: {  	v0 =	vld [tilespmem:s31+$0xFFFFFFB0]  }
0x168: {  	v1 =	vld [tilespmem:s29+$0xFFFFFFB0];
	_ =	sdelay $0x3  }
0x169: {  	v0 =	vmul.f32 $8.000000000e+00, v0;
	_ =	sdelay $0x1  }
0x16a: {  	v0 =	vadd.f32 v0, v1;
	_ =	sdelay $0x1  }
0x16b: {  	[tilespmem:s28+$0xFFFFFF70] =	vst v0  }
0x16c: {  	v0 =	vld [tilespmem:s31+$0xFFFFFFC0]  }
0x16d: {  	v1 =	vld [tilespmem:s29+$0xFFFFFFC0];
	_ =	sdelay $0x3  }
0x16e: {  	v0 =	vmul.f32 $8.000000000e+00, v0;
	_ =	sdelay $0x1  }
0x16f: {  	v0 =	vadd.f32 v0, v1;
	_ =	sdelay $0x1  }
0x170: {  	[tilespmem:s28+$0xFFFFFF80] =	vst v0  }
0x171: {  	v0 =	vld [tilespmem:s31+$0xFFFFFFD0]  }
0x172: {  	v1 =	vld [tilespmem:s29+$0xFFFFFFD0];
	_ =	sdelay $0x3  }
0x173: {  	v0 =	vmul.f32 $8.000000000e+00, v0;
	_ =	sdelay $0x1  }
0x174: {  	v0 =	vadd.f32 v0, v1;
	_ =	sdelay $0x1  }
0x175: {  	[tilespmem:s28+$0xFFFFFFD0] =	vst v0  }
0x176: {  	v0 =	vld [tilespmem:s31+$0xFFFFFFE0]  }
0x177: {  	v1 =	vld [tilespmem:s29+$0xFFFFFFE0];
	_ =	sdelay $0x3  }
0x178: {  	v0 =	vmul.f32 $8.000000000e+00, v0;
	_ =	sdelay $0x1  }
0x179: {  	v0 =	vadd.f32 v0, v1;
	_ =	sdelay $0x1  }
0x17a: {  	[tilespmem:s28+$0xFFFFFFE0] =	vst v0  }
0x17b: {  	v0 =	vld [tilespmem:s31+$0xFFFFFFF0]  }
0x17c: {  	v1 =	vld [tilespmem:s29+$0xFFFFFFF0];
	_ =	sdelay $0x3  }
0x17d: {  	v0 =	vmul.f32 $8.000000000e+00, v0;
	_ =	sdelay $0x1  }
0x17e: {  	v0 =	vadd.f32 v0, v1;
	_ =	sdelay $0x1  }
0x17f: {  	[tilespmem:s28+$0xFFFFFFF0] =	vst v0  }
0x180: {  	v0 =	vld [tilespmem:s31+$0x0]  }
0x181: {  	v1 =	vld [tilespmem:s29+$0x0];
	_ =	sdelay $0x2  }
.Ltmp3:
0x182: {  	(pc) =	sbr.rel @p0 .LBB2_5-.Ltmp3, $3  }
0x183: {  	v0 =	vmul.f32 $8.000000000e+00, v0;
	_ =	sdelay $0x1  }
0x184: {  	v0 =	vadd.f32 v0, v1  }
0x185: {  	s31 =	sadd.s32 $0x100, s31  }
.Ltmp4:
0x186: {  	s26 =	sadd.s32 s26, s8;
	(pc) =	sbr.rel @p1 .LBB2_8-.Ltmp4, $4  }
0x187: {  	s26 =	sshll.u32 s26, $0x4  }
0x188: {  	s26 =	sand.u32 $0x1FFFFF80, s26  }
0x189: {  	[tilespmem:s28+$0x0] =	vst v0;
	s26 =	sadd.s32 s6, s26  }
0x18a: {  	[hbm4b:s26+s2] =	stream.linear.scatter [tilespmem:s21], [sflag:$0x6], $0x6400, $0x38;
	[tilespmem:$0x1F400] =	vst v63  }
0x18b: {  	s26 =	smul.u32 $0x640, s25;
	_ =	sdelay $0x1  }
.Ltmp5:
0x18c: {  	s26 =	sshra.s32 s26, $0x2;
	(pc) =	sbr.rel .LBB2_2-.Ltmp5, $4  }
0x18d: {  	s26 =	sadd.s32 $0x258, s26  }
0x18e: {  	[tilespmem:s14], [sflag:$0x2] =	stream.indirect.gather [hbm4b:s4+s11], $0x40, s26, s11, $0xb8;
	[tilespmem:$0x1F400] =	vst v63  }
0x18f: {  	s25 =	sadd.s32 $0x1, s25  }
0x190: {  	[tilespmem:s15], [sflag:$0x4] =	stream.indirect.gather [hbm4b:s5+s11], $0x40, s26, s11, $0xb8;
	[tilespmem:$0x1F400] =	vst v63  }
.LBB2_9:
0x191: {  	_ =	sfence.sel $0x180000  }
0x192: {  	[bflag:$0x0] =	sbarrier.arrive $0xFFFF  }
0x193: {  	p0 =	sne.s32 s1, $0x0;
	_ =	strace $0x90000047  }
0x194: {  	s0 =	sadd.s32 @!p0 $0x100000, s0;
	[bflag:$0x2] =	sbarrier.arrive $0xFFFF  }
0x195: {  	[sflag:s0] =	ssyncadd.tile.s32 @!p0 $0x1;
	_ =	shalt  }
.Lfunc_end2:
_tile_overlayer_lowered:
.L_overlay_start_2:
0x196: {  	(tag) =	ssettag $0x2  }
0x197: {  	s0 =	rddreg [dreg:$0x0];
	s2 =	stileid.u32  }
0x198: {  	s1 =	rddreg [dreg:$0x1];
	p0 =	sne.s32 s2, $0x0  }
0x199: {  	s3 =	rddreg [dreg:$0x2];
	[bflag:$0x3] =	sbarrier.arrive $0xFFFF;
	s2 =	simm.s32 @!p0 $0x1C07  }
0x19a: {  	[timem:s3], [sflag:s2] =	dma.local @!p0 [hbm:s0], s1  }
0x19b: {  	s0 =	simm.s32 @!p0 $0x7  }
0x19c: {  	_ =	swait.ge @!p0 [sflag:s0], s1  }
0x19d: {  	s1 =	ssub.s32 @!p0 $0x0, s1;
	[sflag:s0] =	ssyncset.done @!p0 $0x0  }
0x19e: {  	[sflag:s0] =	ssyncadd.s32 @!p0 s1  }
0x19f: {  	[bflag:$0x3] =	sbarrier.arrive $0xFFFF  }
0x1a0: {  	_ =	shalt  }

// kernel: sparse-core-data-format-call.cloned.1.call-start
scs
called_computation_lowered:
.L_overlay_start_0:
0x0: {  	s2 =	sld [smem:$0x3FD9]  }
0x1: {  	s3 =	sld [smem:$0x3FFE];
	_ =	sdelay $0x1  }
0x2: {  	s1 =	srdreg.scid  }
0x3: {  	s0 =	sand.u32 $0x1, s1  }
0x4: {  	s18 =	sshll.u32 s0, $0xA;
	s2 =	sadd.s32 s3, s2  }
0x5: {  	s2 =	sadd.s32 s2, s18  }
0x6: {  	[smem:$0x3FC5] =	sst s2  }
0x7: {  	_ = 	snop  }
0x8: {  	s2 =	sld [smem:$0x3FD0];
	(tm) =	ssettm $0x1  }
0x9: {  	s19 =	sld [smem:$0x3FFB];
	_ =	sdelay $0x3  }
0xa: {  	_ =	strace s19  }
0xb: {  	s3 =	sld [smem:$0x3FFC];
	_ =	sdelay $0x3  }
0xc: {  	_ =	strace s3  }
0xd: {  	s3 =	sld [smem:$0x3FFD];
	_ =	sdelay $0x3  }
0xe: {  	_ =	strace s3  }
0xf: {  	_ =	strace $0x8FFFFFFF  }
0x10: {  	s20 =	sld [smem:$0x3FDB];
	_ =	sdelay $0x1  }
0x11: {  	s4 =	simm.s32 $_scs_section_size  }
0x12: {  	s5 =	simm.s32 $_size__tile_overlayer_lowered;
	s6 =	simm.s32 $_tile_overlayer_lowered  }
0x13: {  	s23 =	simm.s32 $0x1BFF;
	s22 =	sshll.u32 s6, $0x1;
	s3 =	sadd.s32 s4, s20  }
0x14: {  	s7 =	simm.s32 $0x0;
	s21 =	sshll.u32 s5, $0x1;
	s5 =	sadd.s32 s22, s3  }
0x15: {  	[timem:s7], [sflag:s23] =	dma.local [hbm:s5], s21  }
0x16: {  	_ =	swait.ge [sflag:s23], s21  }
0x17: {  	s4 =	ssub.s32 $0x0, s21;
	[sflag:s23] =	ssyncset.done $0x0  }
0x18: {  	[sflag:s23] =	ssyncadd.s32 s4;
	_ =	sdelay $0x1  }
0x19: {  	s24 =	simm.s32 $0x1B8B  }
0x1a: {  	_ =	swait.ge [sflag:s24], $0x1  }
0x1b: {  	[sflag:s24] =	ssyncset.done $0x0  }
0x1c: {  	s26 =	simm.s32 $0x1B8E;
	s25 =	sld [smem:$0x3FFE];
	[sflag:s24] =	ssyncadd.s32 $0xFFFFFFFF  }
0x1d: {  	s27 =	simm.s32 $execute0_lowered;
	[smem:$0x3FD2] =	sst s26  }
0x1e: {  	s5 =	sshll.u32 s27, $0x1;
	_ =	strace $0x80000049;
	[dreg:$0x1] =	wrdreg $0xFFFFFFFF  }
0x1f: {  	s28 =	simm.s32 $_size_execute0_lowered;
	s3 =	sadd.s32 s3, s5;
	[dreg:$0x0] =	wrdreg $0x0  }
0x20: {  	s5 =	sshll.u32 s28, $0x1;
	[dreg:$0x2] =	wrdreg s3  }
0x21: {  	[dreg:$0x3] =	wrdreg s5  }
0x22: {  	[dreg:$0x4] =	wrdreg $0xC0  }
0x23: {  	_ =	task [dreg:s7], $0x5FFFF  }
0x24: {  	[dreg:$0x1] =	wrdreg $0xFFFFFFFF  }
0x25: {  	[dreg:$0x0] =	wrdreg $0x60  }
0x26: {  	[dreg:$0x2] =	wrdreg s25  }
0x27: {  	[dreg:$0x3] =	wrdreg s2  }
0x28: {  	[dreg:$0x4] =	wrdreg $0x9  }
0x29: {  	_ =	task.clear_ibuf [dreg:s7], $0x5FFFF;
	_ =	strace $0x90000049  }
0x2a: {  	s29 =	simm.s32 $0x9;
	_ =	strace $0x8000004B  }
0x2b: {  	_ =	swait.ge [sflag:s29], $0x1  }
0x2c: {  	[sflag:s29] =	ssyncadd.s32 $0xFFFFFFFF  }
0x2d: {  	_ =	strace $0x9000004B  }
0x2e: {  	_ =	sfence  }
0x2f: {  	s30 =	sld [smem:$0x0];
	_ =	sdelay $0x2  }
0x30: {  	s31 =	sshll.u32 s1, $0xD;
	s1 =	sshrl.u32 s1, $0x2  }
0x31: {  	s3 =	sand.u32 $0x4000, s31;
	s1 =	sadd.s32 s1, s30  }
0x32: {  	s0 =	sor.u32 s3, s0;
	s1 =	sshll.u32 s1, $0x11  }
0x33: {  	s0 =	sor.u32 s1, s0  }
0x34: {  	s0 =	sadd.s32 $0x8F2B, s0  }
0x35: {  	[sflag:s0] =	ssyncadd.remote.s32 $0x1  }
0x36: {  	_ =	sfence.sel $0xFFFF  }
0x37: {  	[dreg:$0x0] =	wrdreg $0xFFFFFFFF;
	(pc) =	sbr.abs _section_cstart, $3  }
0x38: {  	[dreg:$0x1] =	wrdreg $0xFFFFFFFF  }
0x39: {  	_ =	task.clear_ibuf [dreg:s7], $0x2FFFF;
	_ =	strace $0x9FFFFFFF  }
0x3a: {  	(tm) =	ssettm $0x7FFFFFFF  }
0x3b: {  	_ =	shalt  }
tec
execute0_lowered:
.L_overlay_start_1:
0x0: {  	(tag) =	ssettag $0x1  }
0x1: {  	s0 =	srdreg.scid  }
0x2: {  	s1 =	sshll.u32 s0, $0x4  }
0x3: {  	s0 =	stileid.u32;
	s1 =	sand.u32 $0x10, s1  }
0x4: {  	s1 =	sor.u32 s0, s1  }
0x5: {  	s6 =	rddreg [dreg:$0x0];
	s4 =	simm.s32 $0x1;
	s2 =	sshll.u32 s1, $0x7  }
0x6: {  	s7 =	simm.s32 $0x2;
	s12 =	simm.s32 $0x0;
	s1 =	ssub.s32 $0x1000, s2  }
0x7: {  	s8 =	simm.s32 $0x8000;
	s13 =	simm.s32 $0x0;
	s3 =	sand.u32 $0xF80, s1  }
0x8: {  	s9 =	simm.s32 $0x0;
	s5 =	sshrl.u32 s1, $0xC;
	p0 =	sne.s32 s3, $0x0  }
.Ltmp0:
0x9: {  	s1 =	rddreg [dreg:$0x2];
	s4 =	simm.s32 @!p0 $0x0;
	(pc) =	sbr.rel .LBB1_1-.Ltmp0, $4  }
0xa: {  	s11 =	simm.s32 $0x0;
	s3 =	rddreg [dreg:$0x1];
	s5 =	sadd.s32 s4, s5  }
0xb: {  	_ =	strace $0x8000004A;
	s4 =	simm.s32 $0x1;
	s5 =	smul.u32 $0xC8, s5  }
0xc: {  	s6 =	sadd.s32 $0xA00, s6;
	s10 =	smov.u32 s2;
	[sflag:s4] =	ssyncpa.u1 $0x0  }
0xd: {  	p0 =	por $0x0, $0x0;
	[sflag:s7] =	ssyncpa.u1 $0x0;
	s7 =	sor.u32 $0x1, s5  }
.LBB1_4:
0xe: {  	s16 =	sshll.u32 s13, $0x3;
	s17 =	sand.u32 $0x78, s13  }
0xf: {  	s30 =	sand.u32 $0x7E00, s13;
	s12 =	sshll.u32 s12, $0xF;
	s16 =	sand.u32 $0xC00, s16  }
0x10: {  	[tilespmem:s15+$0x810 ss:$0x81] =	vst.msk $0xffff, v2;
	s31 =	sand.u32 $0x7, s13;
	s16 =	sor.u32 s17, s16;
	s17 =	sadd.s32 s3, s30  }
0x11: {  	[tilespmem:s15+$0x1020 ss:$0x81] =	vst.msk $0xffff, v0;
	s13 =	sshll.u32 s31, $0x12;
	s12 =	sadd.s32 s12, s17;
	s16 =	sshrl.u32 s16, $0x3  }
0x12: {  	[tilespmem:s15+$0x0 ss:$0x81] =	vst.msk $0xffff, v1;
	s13 =	sor.u32 $0x400, s13;
	s12 =	sadd.s32 s16, s12  }
0x13: {  	[hbm4b:s12+s13] =	stream.strided.scatter [tilespmem:s14], [sflag:$0x2], $0x2000, s8, s13, $0x20;
	[tilespmem:$0x8080] =	vst v63  }
.LBB1_5:
0x14: {  	s14 =	sadd.s32 $0x1, s9  }
0x15: {  	s12 =	sadd.s32 $0x1000, s10;
	s16 =	smov.u32 s10;
	p2 =	sgt.s32 s14, $0xC7  }
0x16: {  	s16 =	smov.u32 @p2 s12  }
0x17: {  	s14 =	simm.s32 @p2 $0x0;
	p2 =	sgt.s32 s16, $0xFFF  }
0x18: {  	s16 =	smov.u32 @p2 s2;
	p2 =	sne.s32 s11, s7  }
.Ltmp1:
0x19: {  	p1 =	slt.u32 s11, $0x2;
	(pc) =	sbr.rel @!p2 .LBB1_6-.Ltmp1, $4  }
0x1a: {  	s15 =	simm.s32 @!p1 $0x2  }
0x1b: {  	s13 =	smov.u32 s10;
	p0 =	por !p0, !p0;
	_ =	swait.ge @!p1 [sflag:s15], $0x2000  }
0x1c: {  	s12 =	smov.u32 s9;
	[sflag:s15] =	ssyncset.done @!p1 $0x0;
	s9 =	smov.u32 s14  }
0x1d: {  	s11 =	sadd.s32 $0x1, s11;
	[sflag:s15] =	ssyncadd.s32 @!p1 $0xFFFFE000;
	s10 =	smov.u32 s16  }
.LBB1_1:
0x1e: {  	p1 =	sge.u32 s11, s5  }
0x1f: {  	s14 =	sand.u32 @!p1 $0x1FFFFFF, s9  }
0x20: {  	s15 =	smulhi.u32 @!p1 $0x147AE15, s14;
	_ =	sdelay $0x1  }
0x21: {  	s15 =	smul.u32 @!p1 $0xC8, s15  }
0x22: {  	s16 =	sxor.u32 @!p1 $0xFFFFFFFF, s11;
	s17 =	smul.u32 @!p1 $0xC80, s10  }
0x23: {  	s31 =	sadd.s32 $0xFFFFFFFF, s11;
	s16 =	sshll.u32 @!p1 s16, $0xD;
	s14 =	ssub.s32 @!p1 s14, s15  }
0x24: {  	s15 =	sand.u32 @!p1 $0x2000, s16;
	s16 =	sadd.s32 @!p1 s6, s17;
	s14 =	sshll.u32 @!p1 s14, $0x4  }
0x25: {  	s17 =	simm.s32 @!p1 $0x6400;
	s14 =	sadd.s32 @!p1 s14, s16;
	s16 =	simm.s32 @!p1 $0x40  }
0x26: {  	[tilespmem:s15], [sflag:$0x1] =	stream.strided.gather @!p1 [hbm4b:s14+s16], $0x2000, s17, s16, $0x38;
	[tilespmem:$0x8080] =	vst v63  }
0x27: {  	p1 =	sge.u32 s31, s5  }
.Ltmp2:
0x28: {  	_ = 	snop;
	(pc) =	sbr.rel @p1 .LBB1_5-.Ltmp2, $1  }
0x29: {  	_ =	sdelay $0x3  }
0x2a: {  	s14 =	simm.s32 $0x1  }
0x2b: {  	_ =	swait.ge [sflag:s4], $0x2000;
	s14 =	simm.s32 @!p0 $0x0  }
0x2c: {  	[sflag:s4] =	ssyncset.done $0x0;
	s15 =	sshll.u32 s14, $0xD  }
0x2d: {  	[sflag:s4] =	ssyncadd.s32 $0xFFFFE000;
	s18 =	sor.u32 $0x20, s15  }
0x2e: {  	s14 =	smul.u32 $0x8100, s14;
	v3 =	vld [tilespmem:s18+$0x10]  }
0x2f: {  	s30 =	sand.u32 $0x1, s11;
	v2 =	vld [tilespmem:s18+$0xFFFFFFF0]  }
0x30: {  	s15 =	smul.u32 $0x8100, s30;
	s14 =	sshrl.u32 s14, $0x2;
	v0 =	vld [tilespmem:s18+$0x0]  }
0x31: {  	v1 =	vld [tilespmem:s18+$0xFFFFFFE0];
	s16 =	sor.u32 $0x4000, s14  }
0x32: {  	s31 =	sshrl.u32 s15, $0x2;
	s15 =	sadd.s32 $0x0, s16  }
0x33: {  	s17 =	simm.s32 $0x4;
	s18 =	sadd.s32 $0x40, s18;
	s14 =	sor.u32 $0x4000, s31;
	[tilespmem:s15+$0x1830 ss:$0x81] =	vst.msk $0xffff, v3  }
.LBB1_3:
0x34: {  	v3 =	vld [tilespmem:s18+$0x10];
	p1 =	sne.s32 s17, $0x1FC;
	[tilespmem:s15+$0x810 ss:$0x81] =	vst.msk $0xffff, v2;
	s19 =	smov.u32 s17;
	s17 =	sadd.s32 $0x4, s17  }
.Ltmp3:
0x35: {  	v2 =	vld [tilespmem:s18+$0xFFFFFFF0];
	[tilespmem:s15+$0x1020 ss:$0x81] =	vst.msk $0xffff, v0;
	(pc) =	sbr.rel @p1 .LBB1_3-.Ltmp3, $4  }
0x36: {  	v0 =	vld [tilespmem:s18+$0x0];
	[tilespmem:s15+$0x0 ss:$0x81] =	vst.msk $0xffff, v1  }
0x37: {  	s15 =	sshra.s32 s19, $0x2;
	v1 =	vld [tilespmem:s18+$0xFFFFFFE0]  }
0x38: {  	s15 =	sadd.s32 s15, s16  }
0x39: {  	s18 =	sadd.s32 $0x40, s18;
	[tilespmem:s15+$0x1830 ss:$0x81] =	vst.msk $0xffff, v3  }
.Ltmp4:
0x3a: {  	_ = 	snop;
	(pc) =	sbr.rel .LBB1_4-.Ltmp4, $1  }
0x3b: {  	_ =	sdelay $0x3  }
.LBB1_6:
0x3c: {  	_ =	sfence.sel $0x180000  }
0x3d: {  	s2 =	simm.s32 $0x1;
	[bflag:$0x0] =	sbarrier.arrive $0xFFFF  }
0x3e: {  	s31 =	simm.s32 $0x2;
	[sflag:s2] =	ssyncpa.u1 $0x1  }
0x3f: {  	[sflag:s31] =	ssyncpa.u1 $0x1  }
0x40: {  	p0 =	sne.s32 s0, $0x0;
	_ =	strace $0x9000004A  }
0x41: {  	s0 =	sadd.s32 @!p0 $0x100000, s1;
	[bflag:$0x2] =	sbarrier.arrive $0xFFFF  }
0x42: {  	[sflag:s0] =	ssyncadd.tile.s32 @!p0 $0x1;
	_ =	shalt  }
.Lfunc_end1:
_tile_overlayer_lowered:
.L_overlay_start_2:
0x43: {  	(tag) =	ssettag $0x2  }
0x44: {  	s0 =	rddreg [dreg:$0x0];
	s2 =	stileid.u32  }
0x45: {  	s1 =	rddreg [dreg:$0x1];
	p0 =	sne.s32 s2, $0x0  }
0x46: {  	s3 =	rddreg [dreg:$0x2];
	[bflag:$0x3] =	sbarrier.arrive $0xFFFF;
	s2 =	simm.s32 @!p0 $0x1C01  }
0x47: {  	[timem:s3], [sflag:s2] =	dma.local @!p0 [hbm:s0], s1  }
0x48: {  	s0 =	simm.s32 @!p0 $0x1  }
0x49: {  	_ =	swait.ge @!p0 [sflag:s0], s1  }
0x4a: {  	s1 =	ssub.s32 @!p0 $0x0, s1;
	[sflag:s0] =	ssyncset.done @!p0 $0x0  }
0x4b: {  	[sflag:s0] =	ssyncadd.s32 @!p0 s1  }
0x4c: {  	[bflag:$0x3] =	sbarrier.arrive $0xFFFF  }
0x4d: {  	_ =	shalt  }

</sc_bundles>
